<compile_context>
chip_gen: v7x
topology: tpu7x:2x2x1
jax: 0.10.2.dev20260603
libtpu: 0.0.44.dev20260713+nightly
codegen_flags: <defaults>
</compile_context>

<pallas_src>
import functools
import math

import jax
import jax.numpy as jnp
from jax import lax
from jax.experimental import pallas as pl
from jax.experimental.pallas import tpu as pltpu
from jax.experimental.pallas import tpu_sc as plsc


def _make_sc_kernel(BT, V, E, NW, CH, NB):
    N = BT // NW
    NCH = N // CH
    T = NCH // NB
    assert NCH % NB == 0
    scale = float(math.sqrt(E))
    mesh = plsc.VectorSubcoreMesh(core_axis_name="c", subcore_axis_name="s")
    NC = 2

    @functools.partial(
        pl.kernel,
        mesh=mesh,
        out_type=jax.ShapeDtypeStruct((BT, E), jnp.float32),
        scratch_types=[
            pltpu.VMEM((NCH, CH), jnp.int32),
            pltpu.VMEM((NB, CH, E), jnp.float32),
            pltpu.VMEM((NB, CH, E), jnp.float32),
            pltpu.SemaphoreType.DMA((NB,)),
            pltpu.SemaphoreType.DMA((NB,)),
        ],
        compiler_params=pltpu.CompilerParams(use_tc_tiling_on_sc=False),
    )
    def k(x_hbm, table_hbm, out_hbm, idx_v, gbuf, sbuf, gsem, ssem):
        wid = lax.axis_index("s") * NC + lax.axis_index("c")
        pltpu.sync_copy(x_hbm.at[wid], idx_v)
        base = wid * N

        def gather_start(j, b):
            pltpu.async_copy(table_hbm.at[idx_v.at[j]], gbuf.at[b], gsem.at[b])

        def gather_wait(b):
            pltpu.make_async_copy(
                table_hbm.at[pl.ds(0, CH)], gbuf.at[b], gsem.at[b]).wait()

        def store_start(j, b):
            pltpu.async_copy(
                sbuf.at[b], out_hbm.at[pl.ds(base + j * CH, CH)], ssem.at[b])

        def store_wait(b):
            pltpu.make_async_copy(
                sbuf.at[b], out_hbm.at[pl.ds(0, CH)], ssem.at[b]).wait()

        for b in range(NB):
            gather_start(b, b)

        def outer(t, carry):
            for b in range(NB):
                j = t * NB + b

                @pl.when(t > 0)
                def _w():
                    store_wait(b)

                gather_wait(b)

                @plsc.parallel_loop(0, CH, unroll=8)
                def scale_row(r, b=b):
                    for cc in range(E // 16):
                        sl = pl.ds(cc * 16, 16)
                        sbuf[b, r, sl] = gbuf[b, r, sl] * scale

                @pl.when(t < T - 1)
                def _g():
                    gather_start(j + NB, b)

                store_start(j, b)
            return carry

        lax.fori_loop(0, T, outer, 0)
        for b in range(NB):
            store_wait(b)

    return k


def kernel(x, table):
    B, L = x.shape
    V, E = table.shape
    BT = B * L
    NW = 32
    CH = 128
    NB = 5
    x_r = x.reshape(NW, BT // (NW * CH), CH)
    k = _make_sc_kernel(BT, V, E, NW, CH, NB)
    out = k(x_r, table)
    return out.reshape(B, L, E)

# --- scband reference (transcript-rebuilt; emitter-appended) ---
"""Pipeline reference for scband-token-embedding-25821343383703 (READ-ONLY COPY).

The authoritative reference and input builder live on the scoring server;
editing this copy changes nothing except your own understanding.
"""

import jax, jax.numpy as jnp
import numpy as np

VOCAB = 1000000
EMBED = 64
PAD = 0


def setup_inputs(seed: int = 0) -> dict:
    key = jax.random.key(seed)
    k1, k2 = jax.random.split(key)
    x = jax.random.randint(k1, (4096, 200), 0, VOCAB, dtype=jnp.int32)
    table = jax.random.normal(k2, (VOCAB, EMBED), dtype=jnp.float32)
    table = table.at[PAD].set(0.0)  # padding_idx row zeroed, as nn.Embedding does
    return {"x": x, "table": table}


def reference(x, table):
    scale = jnp.sqrt(jnp.asarray(EMBED, dtype=jnp.float32))
    emb = jnp.take(table, x, axis=0)  # gather: [B, L, E]
    return emb * scale

if __name__ == "__main__":
    import jax
    _d = setup_inputs()
    print(jax.jit(kernel)(*tuple(_d.values())))

</pallas_src>

<mosaic_0001>
#map = affine_map<(d0, d1) -> (0, 0, 0)>
#map1 = affine_map<(d0, d1) -> (0, 0)>
module attributes {stable_mosaic.version = 14 : i64} {
  func.func @k(%arg0: i32, %arg1: i32, %arg2: memref<32x200x128xi32, #tpu.memory_space<hbm>>, %arg3: memref<1000000x64xf32, #tpu.memory_space<hbm>>, %arg4: memref<819200x64xf32, #tpu.memory_space<hbm>>, %arg5: memref<200x128xi32, #tpu.memory_space<vmem>>, %arg6: memref<5x128x64xf32, #tpu.memory_space<vmem>>, %arg7: memref<5x128x64xf32, #tpu.memory_space<vmem>>, %arg8: memref<5x!tpu.dma_semaphore, #tpu.memory_space<semaphore_mem>>, %arg9: memref<5x!tpu.dma_semaphore, #tpu.memory_space<semaphore_mem>>) attributes {dimension_semantics = [#tpu.dimension_semantics<core_parallel>, #tpu.dimension_semantics<subcore_parallel>], iteration_bounds = array<i64: 2, 16>, scalar_prefetch = 0 : i64, scratch_operands = 5 : i64, tpu.core_type = #tpu.core_type<sc_vector_subcore>, window_params = [{transform_indices = #map}, {transform_indices = #map1}, {transform_indices = #map1}]} {
    %mul3A = arith.constant 2 : i32
    %mul3A_0 = arith.muli %arg1, %mul3A : i32
    %add3A = arith.addi %mul3A_0, %arg0 : i32
    "tpu.region"() ({
      %run_scoped3A = tpu.sem_alloc : memref<!tpu.dma_semaphore, #tpu.memory_space<semaphore_mem>>
      %dma_start3A_171 = arith.constant 0 : i32
      %dma_start3A_172 = arith.constant 0 : i32
      %dma_start3A_173 = tpu.memref_slice %arg2[%add3A, %dma_start3A_171, %dma_start3A_172] : memref<32x200x128xi32, #tpu.memory_space<hbm>> -> memref<1x200x128xi32, #tpu.memory_space<hbm>>
      %dma_start3A_174 = tpu.memref_squeeze %dma_start3A_173 : memref<1x200x128xi32, #tpu.memory_space<hbm>> -> memref<200x128xi32, #tpu.memory_space<hbm>>
      %dma_start3A_175 = arith.constant 0 : i32
      %dma_start3A_176 = arith.constant 0 : i32
      %dma_start3A_177 = tpu.memref_slice %arg2[%add3A, %dma_start3A_175, %dma_start3A_176] : memref<32x200x128xi32, #tpu.memory_space<hbm>> -> memref<1x200x128xi32, #tpu.memory_space<hbm>>
      %dma_start3A_178 = tpu.memref_squeeze %dma_start3A_177 : memref<1x200x128xi32, #tpu.memory_space<hbm>> -> memref<200x128xi32, #tpu.memory_space<hbm>>
      tpu.enqueue_dma source(%dma_start3A_178 : memref<200x128xi32, #tpu.memory_space<hbm>>) target(%arg5 : memref<200x128xi32, #tpu.memory_space<vmem>>) target_semaphore(%run_scoped3A : memref<!tpu.dma_semaphore, #tpu.memory_space<semaphore_mem>>)
      %dma_wait3A_179 = arith.constant 0 : i32
      %dma_wait3A_180 = arith.constant 0 : i32
      %dma_wait3A_181 = tpu.memref_slice %arg2[%add3A, %dma_wait3A_179, %dma_wait3A_180] : memref<32x200x128xi32, #tpu.memory_space<hbm>> -> memref<1x200x128xi32, #tpu.memory_space<hbm>>
      %dma_wait3A_182 = tpu.memref_squeeze %dma_wait3A_181 : memref<1x200x128xi32, #tpu.memory_space<hbm>> -> memref<200x128xi32, #tpu.memory_space<hbm>>
      %dma_wait3A_183 = arith.constant 0 : i32
      %dma_wait3A_184 = arith.constant 0 : i32
      %dma_wait3A_185 = tpu.memref_slice %arg2[%add3A, %dma_wait3A_183, %dma_wait3A_184] : memref<32x200x128xi32, #tpu.memory_space<hbm>> -> memref<1x200x128xi32, #tpu.memory_space<hbm>>
      %dma_wait3A_186 = tpu.memref_squeeze %dma_wait3A_185 : memref<1x200x128xi32, #tpu.memory_space<hbm>> -> memref<200x128xi32, #tpu.memory_space<hbm>>
      tpu.wait_dma2 semaphore(%run_scoped3A : memref<!tpu.dma_semaphore, #tpu.memory_space<semaphore_mem>>) src(%dma_wait3A_186 : memref<200x128xi32, #tpu.memory_space<hbm>>) dst(%arg5 : memref<200x128xi32, #tpu.memory_space<vmem>>)
      tpu.yield
    }) : () -> ()
    %mul3A_1 = arith.constant 25600 : i32
    %mul3A_2 = arith.muli %add3A, %mul3A_1 : i32
    %dma_start3A = arith.constant 0 : i32
    %dma_start3A_3 = arith.constant 0 : i32
    %dma_start3A_4 = arith.constant 0 : i32
    %dma_start3A_5 = arith.constant 0 : i32
    %dma_start3A_6 = arith.constant 0 : i32
    %dma_start3A_7 = tpu.memref_slice %arg6[%dma_start3A_3, %dma_start3A_5, %dma_start3A_6] : memref<5x128x64xf32, #tpu.memory_space<vmem>> -> memref<1x128x64xf32, #tpu.memory_space<vmem>>
    %dma_start3A_8 = tpu.memref_squeeze %dma_start3A_7 : memref<1x128x64xf32, #tpu.memory_space<vmem>> -> memref<128x64xf32, #tpu.memory_space<vmem>>
    %dma_start3A_9 = arith.constant 0 : i32
    %dma_start3A_10 = tpu.memref_slice %arg5[%dma_start3A, %dma_start3A_9] : memref<200x128xi32, #tpu.memory_space<vmem>> -> memref<1x128xi32, #tpu.memory_space<vmem>>
    %dma_start3A_11 = tpu.memref_squeeze %dma_start3A_10 : memref<1x128xi32, #tpu.memory_space<vmem>> -> memref<128xi32, #tpu.memory_space<vmem>>
    %dma_start3A_12 = arith.constant 0 : i32
    %dma_start3A_13 = arith.constant 0 : i32
    %dma_start3A_14 = tpu.memref_slice %arg3[%dma_start3A_12, %dma_start3A_13] : memref<1000000x64xf32, #tpu.memory_space<hbm>> -> memref<1000000x64xf32, #tpu.memory_space<hbm>>
    %dma_start3A_15 = tpu.memref_slice %arg8[%dma_start3A_4] : memref<5x!tpu.dma_semaphore, #tpu.memory_space<semaphore_mem>> -> memref<1x!tpu.dma_semaphore, #tpu.memory_space<semaphore_mem>>
    %dma_start3A_16 = tpu.memref_squeeze %dma_start3A_15 : memref<1x!tpu.dma_semaphore, #tpu.memory_space<semaphore_mem>> -> memref<!tpu.dma_semaphore, #tpu.memory_space<semaphore_mem>>
    tpu.enqueue_indirect_dma source(%dma_start3A_14 : memref<1000000x64xf32, #tpu.memory_space<hbm>>) target(%dma_start3A_8 : memref<128x64xf32, #tpu.memory_space<vmem>>) offsets(%dma_start3A_11 : memref<128xi32, #tpu.memory_space<vmem>>) semaphore(%dma_start3A_16 : memref<!tpu.dma_semaphore, #tpu.memory_space<semaphore_mem>>)
    %dma_start3A_17 = arith.constant 1 : i32
    %dma_start3A_18 = arith.constant 1 : i32
    %dma_start3A_19 = arith.constant 1 : i32
    %dma_start3A_20 = arith.constant 0 : i32
    %dma_start3A_21 = arith.constant 0 : i32
    %dma_start3A_22 = tpu.memref_slice %arg6[%dma_start3A_18, %dma_start3A_20, %dma_start3A_21] : memref<5x128x64xf32, #tpu.memory_space<vmem>> -> memref<1x128x64xf32, #tpu.memory_space<vmem>>
    %dma_start3A_23 = tpu.memref_squeeze %dma_start3A_22 : memref<1x128x64xf32, #tpu.memory_space<vmem>> -> memref<128x64xf32, #tpu.memory_space<vmem>>
    %dma_start3A_24 = arith.constant 0 : i32
    %dma_start3A_25 = tpu.memref_slice %arg5[%dma_start3A_17, %dma_start3A_24] : memref<200x128xi32, #tpu.memory_space<vmem>> -> memref<1x128xi32, #tpu.memory_space<vmem>>
    %dma_start3A_26 = tpu.memref_squeeze %dma_start3A_25 : memref<1x128xi32, #tpu.memory_space<vmem>> -> memref<128xi32, #tpu.memory_space<vmem>>
    %dma_start3A_27 = arith.constant 0 : i32
    %dma_start3A_28 = arith.constant 0 : i32
    %dma_start3A_29 = tpu.memref_slice %arg3[%dma_start3A_27, %dma_start3A_28] : memref<1000000x64xf32, #tpu.memory_space<hbm>> -> memref<1000000x64xf32, #tpu.memory_space<hbm>>
    %dma_start3A_30 = tpu.memref_slice %arg8[%dma_start3A_19] : memref<5x!tpu.dma_semaphore, #tpu.memory_space<semaphore_mem>> -> memref<1x!tpu.dma_semaphore, #tpu.memory_space<semaphore_mem>>
    %dma_start3A_31 = tpu.memref_squeeze %dma_start3A_30 : memref<1x!tpu.dma_semaphore, #tpu.memory_space<semaphore_mem>> -> memref<!tpu.dma_semaphore, #tpu.memory_space<semaphore_mem>>
    tpu.enqueue_indirect_dma source(%dma_start3A_29 : memref<1000000x64xf32, #tpu.memory_space<hbm>>) target(%dma_start3A_23 : memref<128x64xf32, #tpu.memory_space<vmem>>) offsets(%dma_start3A_26 : memref<128xi32, #tpu.memory_space<vmem>>) semaphore(%dma_start3A_31 : memref<!tpu.dma_semaphore, #tpu.memory_space<semaphore_mem>>)
    %dma_start3A_32 = arith.constant 2 : i32
    %dma_start3A_33 = arith.constant 2 : i32
    %dma_start3A_34 = arith.constant 2 : i32
    %dma_start3A_35 = arith.constant 0 : i32
    %dma_start3A_36 = arith.constant 0 : i32
    %dma_start3A_37 = tpu.memref_slice %arg6[%dma_start3A_33, %dma_start3A_35, %dma_start3A_36] : memref<5x128x64xf32, #tpu.memory_space<vmem>> -> memref<1x128x64xf32, #tpu.memory_space<vmem>>
    %dma_start3A_38 = tpu.memref_squeeze %dma_start3A_37 : memref<1x128x64xf32, #tpu.memory_space<vmem>> -> memref<128x64xf32, #tpu.memory_space<vmem>>
    %dma_start3A_39 = arith.constant 0 : i32
    %dma_start3A_40 = tpu.memref_slice %arg5[%dma_start3A_32, %dma_start3A_39] : memref<200x128xi32, #tpu.memory_space<vmem>> -> memref<1x128xi32, #tpu.memory_space<vmem>>
    %dma_start3A_41 = tpu.memref_squeeze %dma_start3A_40 : memref<1x128xi32, #tpu.memory_space<vmem>> -> memref<128xi32, #tpu.memory_space<vmem>>
    %dma_start3A_42 = arith.constant 0 : i32
    %dma_start3A_43 = arith.constant 0 : i32
    %dma_start3A_44 = tpu.memref_slice %arg3[%dma_start3A_42, %dma_start3A_43] : memref<1000000x64xf32, #tpu.memory_space<hbm>> -> memref<1000000x64xf32, #tpu.memory_space<hbm>>
    %dma_start3A_45 = tpu.memref_slice %arg8[%dma_start3A_34] : memref<5x!tpu.dma_semaphore, #tpu.memory_space<semaphore_mem>> -> memref<1x!tpu.dma_semaphore, #tpu.memory_space<semaphore_mem>>
    %dma_start3A_46 = tpu.memref_squeeze %dma_start3A_45 : memref<1x!tpu.dma_semaphore, #tpu.memory_space<semaphore_mem>> -> memref<!tpu.dma_semaphore, #tpu.memory_space<semaphore_mem>>
    tpu.enqueue_indirect_dma source(%dma_start3A_44 : memref<1000000x64xf32, #tpu.memory_space<hbm>>) target(%dma_start3A_38 : memref<128x64xf32, #tpu.memory_space<vmem>>) offsets(%dma_start3A_41 : memref<128xi32, #tpu.memory_space<vmem>>) semaphore(%dma_start3A_46 : memref<!tpu.dma_semaphore, #tpu.memory_space<semaphore_mem>>)
    %dma_start3A_47 = arith.constant 3 : i32
    %dma_start3A_48 = arith.constant 3 : i32
    %dma_start3A_49 = arith.constant 3 : i32
    %dma_start3A_50 = arith.constant 0 : i32
    %dma_start3A_51 = arith.constant 0 : i32
    %dma_start3A_52 = tpu.memref_slice %arg6[%dma_start3A_48, %dma_start3A_50, %dma_start3A_51] : memref<5x128x64xf32, #tpu.memory_space<vmem>> -> memref<1x128x64xf32, #tpu.memory_space<vmem>>
    %dma_start3A_53 = tpu.memref_squeeze %dma_start3A_52 : memref<1x128x64xf32, #tpu.memory_space<vmem>> -> memref<128x64xf32, #tpu.memory_space<vmem>>
    %dma_start3A_54 = arith.constant 0 : i32
    %dma_start3A_55 = tpu.memref_slice %arg5[%dma_start3A_47, %dma_start3A_54] : memref<200x128xi32, #tpu.memory_space<vmem>> -> memref<1x128xi32, #tpu.memory_space<vmem>>
    %dma_start3A_56 = tpu.memref_squeeze %dma_start3A_55 : memref<1x128xi32, #tpu.memory_space<vmem>> -> memref<128xi32, #tpu.memory_space<vmem>>
    %dma_start3A_57 = arith.constant 0 : i32
    %dma_start3A_58 = arith.constant 0 : i32
    %dma_start3A_59 = tpu.memref_slice %arg3[%dma_start3A_57, %dma_start3A_58] : memref<1000000x64xf32, #tpu.memory_space<hbm>> -> memref<1000000x64xf32, #tpu.memory_space<hbm>>
    %dma_start3A_60 = tpu.memref_slice %arg8[%dma_start3A_49] : memref<5x!tpu.dma_semaphore, #tpu.memory_space<semaphore_mem>> -> memref<1x!tpu.dma_semaphore, #tpu.memory_space<semaphore_mem>>
    %dma_start3A_61 = tpu.memref_squeeze %dma_start3A_60 : memref<1x!tpu.dma_semaphore, #tpu.memory_space<semaphore_mem>> -> memref<!tpu.dma_semaphore, #tpu.memory_space<semaphore_mem>>
    tpu.enqueue_indirect_dma source(%dma_start3A_59 : memref<1000000x64xf32, #tpu.memory_space<hbm>>) target(%dma_start3A_53 : memref<128x64xf32, #tpu.memory_space<vmem>>) offsets(%dma_start3A_56 : memref<128xi32, #tpu.memory_space<vmem>>) semaphore(%dma_start3A_61 : memref<!tpu.dma_semaphore, #tpu.memory_space<semaphore_mem>>)
    %dma_start3A_62 = arith.constant 4 : i32
    %dma_start3A_63 = arith.constant 4 : i32
    %dma_start3A_64 = arith.constant 4 : i32
    %dma_start3A_65 = arith.constant 0 : i32
    %dma_start3A_66 = arith.constant 0 : i32
    %dma_start3A_67 = tpu.memref_slice %arg6[%dma_start3A_63, %dma_start3A_65, %dma_start3A_66] : memref<5x128x64xf32, #tpu.memory_space<vmem>> -> memref<1x128x64xf32, #tpu.memory_space<vmem>>
    %dma_start3A_68 = tpu.memref_squeeze %dma_start3A_67 : memref<1x128x64xf32, #tpu.memory_space<vmem>> -> memref<128x64xf32, #tpu.memory_space<vmem>>
    %dma_start3A_69 = arith.constant 0 : i32
    %dma_start3A_70 = tpu.memref_slice %arg5[%dma_start3A_62, %dma_start3A_69] : memref<200x128xi32, #tpu.memory_space<vmem>> -> memref<1x128xi32, #tpu.memory_space<vmem>>
    %dma_start3A_71 = tpu.memref_squeeze %dma_start3A_70 : memref<1x128xi32, #tpu.memory_space<vmem>> -> memref<128xi32, #tpu.memory_space<vmem>>
    %dma_start3A_72 = arith.constant 0 : i32
    %dma_start3A_73 = arith.constant 0 : i32
    %dma_start3A_74 = tpu.memref_slice %arg3[%dma_start3A_72, %dma_start3A_73] : memref<1000000x64xf32, #tpu.memory_space<hbm>> -> memref<1000000x64xf32, #tpu.memory_space<hbm>>
    %dma_start3A_75 = tpu.memref_slice %arg8[%dma_start3A_64] : memref<5x!tpu.dma_semaphore, #tpu.memory_space<semaphore_mem>> -> memref<1x!tpu.dma_semaphore, #tpu.memory_space<semaphore_mem>>
    %dma_start3A_76 = tpu.memref_squeeze %dma_start3A_75 : memref<1x!tpu.dma_semaphore, #tpu.memory_space<semaphore_mem>> -> memref<!tpu.dma_semaphore, #tpu.memory_space<semaphore_mem>>
    tpu.enqueue_indirect_dma source(%dma_start3A_74 : memref<1000000x64xf32, #tpu.memory_space<hbm>>) target(%dma_start3A_68 : memref<128x64xf32, #tpu.memory_space<vmem>>) offsets(%dma_start3A_71 : memref<128xi32, #tpu.memory_space<vmem>>) semaphore(%dma_start3A_76 : memref<!tpu.dma_semaphore, #tpu.memory_space<semaphore_mem>>)
    %scan3A = arith.constant 0 : i32
    %scan3A_77 = arith.constant 0 : i32
    %scan3A_78 = arith.constant 40 : i32
    %scan3A_79 = arith.addi %scan3A_77, %scan3A_78 : i32
    %scan3A_80 = arith.constant 1 : i32
    scf.for %scan3A_171 = %scan3A_77 to %scan3A_79 step %scan3A_80  : i32 {
      %mul3A_172 = arith.constant 5 : i32
      %mul3A_173 = arith.muli %scan3A_171, %mul3A_172 : i32
      %add3A_174 = arith.constant 0 : i32
      %add3A_175 = arith.addi %mul3A_173, %add3A_174 : i32
      %gt3A = arith.constant 0 : i32
      %gt3A_176 = arith.cmpi sgt, %scan3A_171, %gt3A : i32
      %convert_element_type3A = arith.extui %gt3A_176 : i1 to i32
      %cond3A = arith.constant 0 : i32
      %cond3A_177 = arith.cmpi ne, %convert_element_type3A, %cond3A : i32
      scf.if %cond3A_177 {
        %dma_wait3A_437 = arith.constant 0 : i32
        %dma_wait3A_438 = arith.constant 0 : i32
        %dma_wait3A_439 = arith.constant 0 : i32
        %dma_wait3A_440 = arith.constant 0 : i32
        %dma_wait3A_441 = tpu.memref_slice %arg7[%dma_wait3A_437, %dma_wait3A_439, %dma_wait3A_440] : memref<5x128x64xf32, #tpu.memory_space<vmem>> -> memref<1x128x64xf32, #tpu.memory_space<vmem>>
        %dma_wait3A_442 = tpu.memref_squeeze %dma_wait3A_441 : memref<1x128x64xf32, #tpu.memory_space<vmem>> -> memref<128x64xf32, #tpu.memory_space<vmem>>
        %dma_wait3A_443 = arith.constant 0 : i32
        %dma_wait3A_444 = arith.constant 0 : i32
        %dma_wait3A_445 = tpu.memref_slice %arg4[%dma_wait3A_443, %dma_wait3A_444] : memref<819200x64xf32, #tpu.memory_space<hbm>> -> memref<128x64xf32, #tpu.memory_space<hbm>>
        %dma_wait3A_446 = tpu.memref_slice %arg9[%dma_wait3A_438] : memref<5x!tpu.dma_semaphore, #tpu.memory_space<semaphore_mem>> -> memref<1x!tpu.dma_semaphore, #tpu.memory_space<semaphore_mem>>
        %dma_wait3A_447 = tpu.memref_squeeze %dma_wait3A_446 : memref<1x!tpu.dma_semaphore, #tpu.memory_space<semaphore_mem>> -> memref<!tpu.dma_semaphore, #tpu.memory_space<semaphore_mem>>
        %dma_wait3A_448 = arith.constant 0 : i32
        %dma_wait3A_449 = arith.constant 0 : i32
        %dma_wait3A_450 = tpu.memref_slice %arg4[%dma_wait3A_448, %dma_wait3A_449] : memref<819200x64xf32, #tpu.memory_space<hbm>> -> memref<128x64xf32, #tpu.memory_space<hbm>>
        %dma_wait3A_451 = arith.constant 0 : i32
        %dma_wait3A_452 = arith.constant 0 : i32
        %dma_wait3A_453 = tpu.memref_slice %arg7[%dma_wait3A_437, %dma_wait3A_451, %dma_wait3A_452] : memref<5x128x64xf32, #tpu.memory_space<vmem>> -> memref<1x128x64xf32, #tpu.memory_space<vmem>>
        %dma_wait3A_454 = tpu.memref_squeeze %dma_wait3A_453 : memref<1x128x64xf32, #tpu.memory_space<vmem>> -> memref<128x64xf32, #tpu.memory_space<vmem>>
        tpu.wait_dma2 semaphore(%dma_wait3A_447 : memref<!tpu.dma_semaphore, #tpu.memory_space<semaphore_mem>>) src(%dma_wait3A_454 : memref<128x64xf32, #tpu.memory_space<vmem>>) dst(%dma_wait3A_450 : memref<128x64xf32, #tpu.memory_space<hbm>>)
      } else {
      }
      %dma_wait3A_178 = arith.constant 0 : i32
      %dma_wait3A_179 = arith.constant 0 : i32
      %dma_wait3A_180 = arith.constant 0 : i32
      %dma_wait3A_181 = arith.constant 0 : i32
      %dma_wait3A_182 = tpu.memref_slice %arg6[%dma_wait3A_178, %dma_wait3A_180, %dma_wait3A_181] : memref<5x128x64xf32, #tpu.memory_space<vmem>> -> memref<1x128x64xf32, #tpu.memory_space<vmem>>
      %dma_wait3A_183 = tpu.memref_squeeze %dma_wait3A_182 : memref<1x128x64xf32, #tpu.memory_space<vmem>> -> memref<128x64xf32, #tpu.memory_space<vmem>>
      %dma_wait3A_184 = arith.constant 0 : i32
      %dma_wait3A_185 = arith.constant 0 : i32
      %dma_wait3A_186 = tpu.memref_slice %arg3[%dma_wait3A_184, %dma_wait3A_185] : memref<1000000x64xf32, #tpu.memory_space<hbm>> -> memref<128x64xf32, #tpu.memory_space<hbm>>
      %dma_wait3A_187 = tpu.memref_slice %arg8[%dma_wait3A_179] : memref<5x!tpu.dma_semaphore, #tpu.memory_space<semaphore_mem>> -> memref<1x!tpu.dma_semaphore, #tpu.memory_space<semaphore_mem>>
      %dma_wait3A_188 = tpu.memref_squeeze %dma_wait3A_187 : memref<1x!tpu.dma_semaphore, #tpu.memory_space<semaphore_mem>> -> memref<!tpu.dma_semaphore, #tpu.memory_space<semaphore_mem>>
      %dma_wait3A_189 = arith.constant 0 : i32
      %dma_wait3A_190 = arith.constant 0 : i32
      %dma_wait3A_191 = tpu.memref_slice %arg6[%dma_wait3A_178, %dma_wait3A_189, %dma_wait3A_190] : memref<5x128x64xf32, #tpu.memory_space<vmem>> -> memref<1x128x64xf32, #tpu.memory_space<vmem>>
      %dma_wait3A_192 = tpu.memref_squeeze %dma_wait3A_191 : memref<1x128x64xf32, #tpu.memory_space<vmem>> -> memref<128x64xf32, #tpu.memory_space<vmem>>
      %dma_wait3A_193 = arith.constant 0 : i32
      %dma_wait3A_194 = arith.constant 0 : i32
      %dma_wait3A_195 = tpu.memref_slice %arg3[%dma_wait3A_193, %dma_wait3A_194] : memref<1000000x64xf32, #tpu.memory_space<hbm>> -> memref<128x64xf32, #tpu.memory_space<hbm>>
      tpu.wait_dma2 semaphore(%dma_wait3A_188 : memref<!tpu.dma_semaphore, #tpu.memory_space<semaphore_mem>>) src(%dma_wait3A_195 : memref<128x64xf32, #tpu.memory_space<hbm>>) dst(%dma_wait3A_192 : memref<128x64xf32, #tpu.memory_space<vmem>>)
      %parallel_loop3A = arith.constant 0 : i32
      %parallel_loop3A_196 = arith.constant 128 : i32
      %parallel_loop3A_197 = arith.constant 1 : i32
      scf.for %parallel_loop3A_437 = %parallel_loop3A to %parallel_loop3A_196 step %parallel_loop3A_197  : i32 {
        %parallel_loop3A_438 = arith.constant 0 : i32
        %parallel_loop3A_439 = arith.index_cast %parallel_loop3A_438 : i32 to index
        %parallel_loop3A_440 = arith.index_cast %parallel_loop3A_437 : i32 to index
        %parallel_loop3A_441 = arith.constant 0 : index
        %parallel_loop3A_442 = tpu.vector_load %arg6[%parallel_loop3A_439, %parallel_loop3A_440, %parallel_loop3A_441] {strides = array<i32>} : memref<5x128x64xf32, #tpu.memory_space<vmem>>, vector<1x1x16xf32>,
        %parallel_loop3A_443 = vector.shape_cast %parallel_loop3A_442 : vector<1x1x16xf32> to vector<16xf32>
        %parallel_loop3A_444 = arith.constant 8.000000e+00 : f32
        %parallel_loop3A_445 = vector.broadcast %parallel_loop3A_444 : f32 to vector<16xf32>
        %parallel_loop3A_446 = arith.mulf %parallel_loop3A_443, %parallel_loop3A_445 : vector<16xf32>
        %parallel_loop3A_447 = arith.constant 0 : i32
        %parallel_loop3A_448 = arith.index_cast %parallel_loop3A_447 : i32 to index
        %parallel_loop3A_449 = arith.index_cast %parallel_loop3A_437 : i32 to index
        %parallel_loop3A_450 = arith.constant 0 : index
        %parallel_loop3A_451 = tpu.vector_load %arg7[%parallel_loop3A_448, %parallel_loop3A_449, %parallel_loop3A_450] {strides = array<i32>} : memref<5x128x64xf32, #tpu.memory_space<vmem>>, vector<1x1x16xf32>,
        %parallel_loop3A_452 = vector.shape_cast %parallel_loop3A_451 : vector<1x1x16xf32> to vector<16xf32>
        %parallel_loop3A_453 = vector.shape_cast %parallel_loop3A_446 : vector<16xf32> to vector<1x1x16xf32>
        tpu.vector_store %arg7[%parallel_loop3A_448, %parallel_loop3A_449, %parallel_loop3A_450], %parallel_loop3A_453 {strides = array<i32>} : memref<5x128x64xf32, #tpu.memory_space<vmem>>, vector<1x1x16xf32>,
        %parallel_loop3A_454 = arith.constant 0 : i32
        %parallel_loop3A_455 = arith.index_cast %parallel_loop3A_454 : i32 to index
        %parallel_loop3A_456 = arith.index_cast %parallel_loop3A_437 : i32 to index
        %parallel_loop3A_457 = arith.constant 16 : index
        %parallel_loop3A_458 = tpu.vector_load %arg6[%parallel_loop3A_455, %parallel_loop3A_456, %parallel_loop3A_457] {strides = array<i32>} : memref<5x128x64xf32, #tpu.memory_space<vmem>>, vector<1x1x16xf32>,
        %parallel_loop3A_459 = vector.shape_cast %parallel_loop3A_458 : vector<1x1x16xf32> to vector<16xf32>
        %parallel_loop3A_460 = arith.constant 8.000000e+00 : f32
        %parallel_loop3A_461 = vector.broadcast %parallel_loop3A_460 : f32 to vector<16xf32>
        %parallel_loop3A_462 = arith.mulf %parallel_loop3A_459, %parallel_loop3A_461 : vector<16xf32>
        %parallel_loop3A_463 = arith.constant 0 : i32
        %parallel_loop3A_464 = arith.index_cast %parallel_loop3A_463 : i32 to index
        %parallel_loop3A_465 = arith.index_cast %parallel_loop3A_437 : i32 to index
        %parallel_loop3A_466 = arith.constant 16 : index
        %parallel_loop3A_467 = tpu.vector_load %arg7[%parallel_loop3A_464, %parallel_loop3A_465, %parallel_loop3A_466] {strides = array<i32>} : memref<5x128x64xf32, #tpu.memory_space<vmem>>, vector<1x1x16xf32>,
        %parallel_loop3A_468 = vector.shape_cast %parallel_loop3A_467 : vector<1x1x16xf32> to vector<16xf32>
        %parallel_loop3A_469 = vector.shape_cast %parallel_loop3A_462 : vector<16xf32> to vector<1x1x16xf32>
        tpu.vector_store %arg7[%parallel_loop3A_464, %parallel_loop3A_465, %parallel_loop3A_466], %parallel_loop3A_469 {strides = array<i32>} : memref<5x128x64xf32, #tpu.memory_space<vmem>>, vector<1x1x16xf32>,
        %parallel_loop3A_470 = arith.constant 0 : i32
        %parallel_loop3A_471 = arith.index_cast %parallel_loop3A_470 : i32 to index
        %parallel_loop3A_472 = arith.index_cast %parallel_loop3A_437 : i32 to index
        %parallel_loop3A_473 = arith.constant 32 : index
        %parallel_loop3A_474 = tpu.vector_load %arg6[%parallel_loop3A_471, %parallel_loop3A_472, %parallel_loop3A_473] {strides = array<i32>} : memref<5x128x64xf32, #tpu.memory_space<vmem>>, vector<1x1x16xf32>,
        %parallel_loop3A_475 = vector.shape_cast %parallel_loop3A_474 : vector<1x1x16xf32> to vector<16xf32>
        %parallel_loop3A_476 = arith.constant 8.000000e+00 : f32
        %parallel_loop3A_477 = vector.broadcast %parallel_loop3A_476 : f32 to vector<16xf32>
        %parallel_loop3A_478 = arith.mulf %parallel_loop3A_475, %parallel_loop3A_477 : vector<16xf32>
        %parallel_loop3A_479 = arith.constant 0 : i32
        %parallel_loop3A_480 = arith.index_cast %parallel_loop3A_479 : i32 to index
        %parallel_loop3A_481 = arith.index_cast %parallel_loop3A_437 : i32 to index
        %parallel_loop3A_482 = arith.constant 32 : index
        %parallel_loop3A_483 = tpu.vector_load %arg7[%parallel_loop3A_480, %parallel_loop3A_481, %parallel_loop3A_482] {strides = array<i32>} : memref<5x128x64xf32, #tpu.memory_space<vmem>>, vector<1x1x16xf32>,
        %parallel_loop3A_484 = vector.shape_cast %parallel_loop3A_483 : vector<1x1x16xf32> to vector<16xf32>
        %parallel_loop3A_485 = vector.shape_cast %parallel_loop3A_478 : vector<16xf32> to vector<1x1x16xf32>
        tpu.vector_store %arg7[%parallel_loop3A_480, %parallel_loop3A_481, %parallel_loop3A_482], %parallel_loop3A_485 {strides = array<i32>} : memref<5x128x64xf32, #tpu.memory_space<vmem>>, vector<1x1x16xf32>,
        %parallel_loop3A_486 = arith.constant 0 : i32
        %parallel_loop3A_487 = arith.index_cast %parallel_loop3A_486 : i32 to index
        %parallel_loop3A_488 = arith.index_cast %parallel_loop3A_437 : i32 to index
        %parallel_loop3A_489 = arith.constant 48 : index
        %parallel_loop3A_490 = tpu.vector_load %arg6[%parallel_loop3A_487, %parallel_loop3A_488, %parallel_loop3A_489] {strides = array<i32>} : memref<5x128x64xf32, #tpu.memory_space<vmem>>, vector<1x1x16xf32>,
        %parallel_loop3A_491 = vector.shape_cast %parallel_loop3A_490 : vector<1x1x16xf32> to vector<16xf32>
        %parallel_loop3A_492 = arith.constant 8.000000e+00 : f32
        %parallel_loop3A_493 = vector.broadcast %parallel_loop3A_492 : f32 to vector<16xf32>
        %parallel_loop3A_494 = arith.mulf %parallel_loop3A_491, %parallel_loop3A_493 : vector<16xf32>
        %parallel_loop3A_495 = arith.constant 0 : i32
        %parallel_loop3A_496 = arith.index_cast %parallel_loop3A_495 : i32 to index
        %parallel_loop3A_497 = arith.index_cast %parallel_loop3A_437 : i32 to index
        %parallel_loop3A_498 = arith.constant 48 : index
        %parallel_loop3A_499 = tpu.vector_load %arg7[%parallel_loop3A_496, %parallel_loop3A_497, %parallel_loop3A_498] {strides = array<i32>} : memref<5x128x64xf32, #tpu.memory_space<vmem>>, vector<1x1x16xf32>,
        %parallel_loop3A_500 = vector.shape_cast %parallel_loop3A_499 : vector<1x1x16xf32> to vector<16xf32>
        %parallel_loop3A_501 = vector.shape_cast %parallel_loop3A_494 : vector<16xf32> to vector<1x1x16xf32>
        tpu.vector_store %arg7[%parallel_loop3A_496, %parallel_loop3A_497, %parallel_loop3A_498], %parallel_loop3A_501 {strides = array<i32>} : memref<5x128x64xf32, #tpu.memory_space<vmem>>, vector<1x1x16xf32>,
      } {sc.loop_unroll_factor = 8 : i64, sc.parallel_access}
      %lt3A = arith.constant 39 : i32
      %lt3A_198 = arith.cmpi slt, %scan3A_171, %lt3A : i32
      %convert_element_type3A_199 = arith.extui %lt3A_198 : i1 to i32
      %cond3A_200 = arith.constant 0 : i32
      %cond3A_201 = arith.cmpi ne, %convert_element_type3A_199, %cond3A_200 : i32
      scf.if %cond3A_201 {
        %add3A_437 = arith.constant 5 : i32
        %add3A_438 = arith.addi %add3A_175, %add3A_437 : i32
        %dma_start3A_439 = arith.constant 0 : i32
        %dma_start3A_440 = arith.constant 0 : i32
        %dma_start3A_441 = arith.constant 0 : i32
        %dma_start3A_442 = arith.constant 0 : i32
        %dma_start3A_443 = tpu.memref_slice %arg6[%dma_start3A_439, %dma_start3A_441, %dma_start3A_442] : memref<5x128x64xf32, #tpu.memory_space<vmem>> -> memref<1x128x64xf32, #tpu.memory_space<vmem>>
        %dma_start3A_444 = tpu.memref_squeeze %dma_start3A_443 : memref<1x128x64xf32, #tpu.memory_space<vmem>> -> memref<128x64xf32, #tpu.memory_space<vmem>>
        %dma_start3A_445 = arith.constant 0 : i32
        %dma_start3A_446 = tpu.memref_slice %arg5[%add3A_438, %dma_start3A_445] : memref<200x128xi32, #tpu.memory_space<vmem>> -> memref<1x128xi32, #tpu.memory_space<vmem>>
        %dma_start3A_447 = tpu.memref_squeeze %dma_start3A_446 : memref<1x128xi32, #tpu.memory_space<vmem>> -> memref<128xi32, #tpu.memory_space<vmem>>
        %dma_start3A_448 = arith.constant 0 : i32
        %dma_start3A_449 = arith.constant 0 : i32
        %dma_start3A_450 = tpu.memref_slice %arg3[%dma_start3A_448, %dma_start3A_449] : memref<1000000x64xf32, #tpu.memory_space<hbm>> -> memref<1000000x64xf32, #tpu.memory_space<hbm>>
        %dma_start3A_451 = tpu.memref_slice %arg8[%dma_start3A_440] : memref<5x!tpu.dma_semaphore, #tpu.memory_space<semaphore_mem>> -> memref<1x!tpu.dma_semaphore, #tpu.memory_space<semaphore_mem>>
        %dma_start3A_452 = tpu.memref_squeeze %dma_start3A_451 : memref<1x!tpu.dma_semaphore, #tpu.memory_space<semaphore_mem>> -> memref<!tpu.dma_semaphore, #tpu.memory_space<semaphore_mem>>
        tpu.enqueue_indirect_dma source(%dma_start3A_450 : memref<1000000x64xf32, #tpu.memory_space<hbm>>) target(%dma_start3A_444 : memref<128x64xf32, #tpu.memory_space<vmem>>) offsets(%dma_start3A_447 : memref<128xi32, #tpu.memory_space<vmem>>) semaphore(%dma_start3A_452 : memref<!tpu.dma_semaphore, #tpu.memory_space<semaphore_mem>>)
      } else {
      }
      %mul3A_202 = arith.constant 128 : i32
      %mul3A_203 = arith.muli %add3A_175, %mul3A_202 : i32
      %add3A_204 = arith.addi %mul3A_2, %mul3A_203 : i32
      %dma_start3A_205 = arith.constant 0 : i32
      %dma_start3A_206 = arith.constant 0 : i32
      %dma_start3A_207 = arith.constant 0 : i32
      %dma_start3A_208 = arith.constant 0 : i32
      %dma_start3A_209 = tpu.memref_slice %arg7[%dma_start3A_205, %dma_start3A_207, %dma_start3A_208] : memref<5x128x64xf32, #tpu.memory_space<vmem>> -> memref<1x128x64xf32, #tpu.memory_space<vmem>>
      %dma_start3A_210 = tpu.memref_squeeze %dma_start3A_209 : memref<1x128x64xf32, #tpu.memory_space<vmem>> -> memref<128x64xf32, #tpu.memory_space<vmem>>
      %dma_start3A_211 = arith.constant 0 : i32
      %dma_start3A_212 = tpu.memref_slice %arg4[%add3A_204, %dma_start3A_211] : memref<819200x64xf32, #tpu.memory_space<hbm>> -> memref<128x64xf32, #tpu.memory_space<hbm>>
      %dma_start3A_213 = tpu.memref_slice %arg9[%dma_start3A_206] : memref<5x!tpu.dma_semaphore, #tpu.memory_space<semaphore_mem>> -> memref<1x!tpu.dma_semaphore, #tpu.memory_space<semaphore_mem>>
      %dma_start3A_214 = tpu.memref_squeeze %dma_start3A_213 : memref<1x!tpu.dma_semaphore, #tpu.memory_space<semaphore_mem>> -> memref<!tpu.dma_semaphore, #tpu.memory_space<semaphore_mem>>
      %dma_start3A_215 = arith.constant 0 : i32
      %dma_start3A_216 = tpu.memref_slice %arg4[%add3A_204, %dma_start3A_215] : memref<819200x64xf32, #tpu.memory_space<hbm>> -> memref<128x64xf32, #tpu.memory_space<hbm>>
      %dma_start3A_217 = arith.constant 0 : i32
      %dma_start3A_218 = arith.constant 0 : i32
      %dma_start3A_219 = tpu.memref_slice %arg7[%dma_start3A_205, %dma_start3A_217, %dma_start3A_218] : memref<5x128x64xf32, #tpu.memory_space<vmem>> -> memref<1x128x64xf32, #tpu.memory_space<vmem>>
      %dma_start3A_220 = tpu.memref_squeeze %dma_start3A_219 : memref<1x128x64xf32, #tpu.memory_space<vmem>> -> memref<128x64xf32, #tpu.memory_space<vmem>>
      tpu.enqueue_dma source(%dma_start3A_220 : memref<128x64xf32, #tpu.memory_space<vmem>>) target(%dma_start3A_216 : memref<128x64xf32, #tpu.memory_space<hbm>>) target_semaphore(%dma_start3A_214 : memref<!tpu.dma_semaphore, #tpu.memory_space<semaphore_mem>>)
      %mul3A_221 = arith.constant 5 : i32
      %mul3A_222 = arith.muli %scan3A_171, %mul3A_221 : i32
      %add3A_223 = arith.constant 1 : i32
      %add3A_224 = arith.addi %mul3A_222, %add3A_223 : i32
      %gt3A_225 = arith.constant 0 : i32
      %gt3A_226 = arith.cmpi sgt, %scan3A_171, %gt3A_225 : i32
      %convert_element_type3A_227 = arith.extui %gt3A_226 : i1 to i32
      %cond3A_228 = arith.constant 0 : i32
      %cond3A_229 = arith.cmpi ne, %convert_element_type3A_227, %cond3A_228 : i32
      scf.if %cond3A_229 {
        %dma_wait3A_437 = arith.constant 1 : i32
        %dma_wait3A_438 = arith.constant 1 : i32
        %dma_wait3A_439 = arith.constant 0 : i32
        %dma_wait3A_440 = arith.constant 0 : i32
        %dma_wait3A_441 = tpu.memref_slice %arg7[%dma_wait3A_437, %dma_wait3A_439, %dma_wait3A_440] : memref<5x128x64xf32, #tpu.memory_space<vmem>> -> memref<1x128x64xf32, #tpu.memory_space<vmem>>
        %dma_wait3A_442 = tpu.memref_squeeze %dma_wait3A_441 : memref<1x128x64xf32, #tpu.memory_space<vmem>> -> memref<128x64xf32, #tpu.memory_space<vmem>>
        %dma_wait3A_443 = arith.constant 0 : i32
        %dma_wait3A_444 = arith.constant 0 : i32
        %dma_wait3A_445 = tpu.memref_slice %arg4[%dma_wait3A_443, %dma_wait3A_444] : memref<819200x64xf32, #tpu.memory_space<hbm>> -> memref<128x64xf32, #tpu.memory_space<hbm>>
        %dma_wait3A_446 = tpu.memref_slice %arg9[%dma_wait3A_438] : memref<5x!tpu.dma_semaphore, #tpu.memory_space<semaphore_mem>> -> memref<1x!tpu.dma_semaphore, #tpu.memory_space<semaphore_mem>>
        %dma_wait3A_447 = tpu.memref_squeeze %dma_wait3A_446 : memref<1x!tpu.dma_semaphore, #tpu.memory_space<semaphore_mem>> -> memref<!tpu.dma_semaphore, #tpu.memory_space<semaphore_mem>>
        %dma_wait3A_448 = arith.constant 0 : i32
        %dma_wait3A_449 = arith.constant 0 : i32
        %dma_wait3A_450 = tpu.memref_slice %arg4[%dma_wait3A_448, %dma_wait3A_449] : memref<819200x64xf32, #tpu.memory_space<hbm>> -> memref<128x64xf32, #tpu.memory_space<hbm>>
        %dma_wait3A_451 = arith.constant 0 : i32
        %dma_wait3A_452 = arith.constant 0 : i32
        %dma_wait3A_453 = tpu.memref_slice %arg7[%dma_wait3A_437, %dma_wait3A_451, %dma_wait3A_452] : memref<5x128x64xf32, #tpu.memory_space<vmem>> -> memref<1x128x64xf32, #tpu.memory_space<vmem>>
        %dma_wait3A_454 = tpu.memref_squeeze %dma_wait3A_453 : memref<1x128x64xf32, #tpu.memory_space<vmem>> -> memref<128x64xf32, #tpu.memory_space<vmem>>
        tpu.wait_dma2 semaphore(%dma_wait3A_447 : memref<!tpu.dma_semaphore, #tpu.memory_space<semaphore_mem>>) src(%dma_wait3A_454 : memref<128x64xf32, #tpu.memory_space<vmem>>) dst(%dma_wait3A_450 : memref<128x64xf32, #tpu.memory_space<hbm>>)
      } else {
      }
      %dma_wait3A_230 = arith.constant 1 : i32
      %dma_wait3A_231 = arith.constant 1 : i32
      %dma_wait3A_232 = arith.constant 0 : i32
      %dma_wait3A_233 = arith.constant 0 : i32
      %dma_wait3A_234 = tpu.memref_slice %arg6[%dma_wait3A_230, %dma_wait3A_232, %dma_wait3A_233] : memref<5x128x64xf32, #tpu.memory_space<vmem>> -> memref<1x128x64xf32, #tpu.memory_space<vmem>>
      %dma_wait3A_235 = tpu.memref_squeeze %dma_wait3A_234 : memref<1x128x64xf32, #tpu.memory_space<vmem>> -> memref<128x64xf32, #tpu.memory_space<vmem>>
      %dma_wait3A_236 = arith.constant 0 : i32
      %dma_wait3A_237 = arith.constant 0 : i32
      %dma_wait3A_238 = tpu.memref_slice %arg3[%dma_wait3A_236, %dma_wait3A_237] : memref<1000000x64xf32, #tpu.memory_space<hbm>> -> memref<128x64xf32, #tpu.memory_space<hbm>>
      %dma_wait3A_239 = tpu.memref_slice %arg8[%dma_wait3A_231] : memref<5x!tpu.dma_semaphore, #tpu.memory_space<semaphore_mem>> -> memref<1x!tpu.dma_semaphore, #tpu.memory_space<semaphore_mem>>
      %dma_wait3A_240 = tpu.memref_squeeze %dma_wait3A_239 : memref<1x!tpu.dma_semaphore, #tpu.memory_space<semaphore_mem>> -> memref<!tpu.dma_semaphore, #tpu.memory_space<semaphore_mem>>
      %dma_wait3A_241 = arith.constant 0 : i32
      %dma_wait3A_242 = arith.constant 0 : i32
      %dma_wait3A_243 = tpu.memref_slice %arg6[%dma_wait3A_230, %dma_wait3A_241, %dma_wait3A_242] : memref<5x128x64xf32, #tpu.memory_space<vmem>> -> memref<1x128x64xf32, #tpu.memory_space<vmem>>
      %dma_wait3A_244 = tpu.memref_squeeze %dma_wait3A_243 : memref<1x128x64xf32, #tpu.memory_space<vmem>> -> memref<128x64xf32, #tpu.memory_space<vmem>>
      %dma_wait3A_245 = arith.constant 0 : i32
      %dma_wait3A_246 = arith.constant 0 : i32
      %dma_wait3A_247 = tpu.memref_slice %arg3[%dma_wait3A_245, %dma_wait3A_246] : memref<1000000x64xf32, #tpu.memory_space<hbm>> -> memref<128x64xf32, #tpu.memory_space<hbm>>
      tpu.wait_dma2 semaphore(%dma_wait3A_240 : memref<!tpu.dma_semaphore, #tpu.memory_space<semaphore_mem>>) src(%dma_wait3A_247 : memref<128x64xf32, #tpu.memory_space<hbm>>) dst(%dma_wait3A_244 : memref<128x64xf32, #tpu.memory_space<vmem>>)
      %parallel_loop3A_248 = arith.constant 0 : i32
      %parallel_loop3A_249 = arith.constant 128 : i32
      %parallel_loop3A_250 = arith.constant 1 : i32
      scf.for %parallel_loop3A_437 = %parallel_loop3A_248 to %parallel_loop3A_249 step %parallel_loop3A_250  : i32 {
        %parallel_loop3A_438 = arith.constant 1 : i32
        %parallel_loop3A_439 = arith.index_cast %parallel_loop3A_438 : i32 to index
        %parallel_loop3A_440 = arith.index_cast %parallel_loop3A_437 : i32 to index
        %parallel_loop3A_441 = arith.constant 0 : index
        %parallel_loop3A_442 = tpu.vector_load %arg6[%parallel_loop3A_439, %parallel_loop3A_440, %parallel_loop3A_441] {strides = array<i32>} : memref<5x128x64xf32, #tpu.memory_space<vmem>>, vector<1x1x16xf32>,
        %parallel_loop3A_443 = vector.shape_cast %parallel_loop3A_442 : vector<1x1x16xf32> to vector<16xf32>
        %parallel_loop3A_444 = arith.constant 8.000000e+00 : f32
        %parallel_loop3A_445 = vector.broadcast %parallel_loop3A_444 : f32 to vector<16xf32>
        %parallel_loop3A_446 = arith.mulf %parallel_loop3A_443, %parallel_loop3A_445 : vector<16xf32>
        %parallel_loop3A_447 = arith.constant 1 : i32
        %parallel_loop3A_448 = arith.index_cast %parallel_loop3A_447 : i32 to index
        %parallel_loop3A_449 = arith.index_cast %parallel_loop3A_437 : i32 to index
        %parallel_loop3A_450 = arith.constant 0 : index
        %parallel_loop3A_451 = tpu.vector_load %arg7[%parallel_loop3A_448, %parallel_loop3A_449, %parallel_loop3A_450] {strides = array<i32>} : memref<5x128x64xf32, #tpu.memory_space<vmem>>, vector<1x1x16xf32>,
        %parallel_loop3A_452 = vector.shape_cast %parallel_loop3A_451 : vector<1x1x16xf32> to vector<16xf32>
        %parallel_loop3A_453 = vector.shape_cast %parallel_loop3A_446 : vector<16xf32> to vector<1x1x16xf32>
        tpu.vector_store %arg7[%parallel_loop3A_448, %parallel_loop3A_449, %parallel_loop3A_450], %parallel_loop3A_453 {strides = array<i32>} : memref<5x128x64xf32, #tpu.memory_space<vmem>>, vector<1x1x16xf32>,
        %parallel_loop3A_454 = arith.constant 1 : i32
        %parallel_loop3A_455 = arith.index_cast %parallel_loop3A_454 : i32 to index
        %parallel_loop3A_456 = arith.index_cast %parallel_loop3A_437 : i32 to index
        %parallel_loop3A_457 = arith.constant 16 : index
        %parallel_loop3A_458 = tpu.vector_load %arg6[%parallel_loop3A_455, %parallel_loop3A_456, %parallel_loop3A_457] {strides = array<i32>} : memref<5x128x64xf32, #tpu.memory_space<vmem>>, vector<1x1x16xf32>,
        %parallel_loop3A_459 = vector.shape_cast %parallel_loop3A_458 : vector<1x1x16xf32> to vector<16xf32>
        %parallel_loop3A_460 = arith.constant 8.000000e+00 : f32
        %parallel_loop3A_461 = vector.broadcast %parallel_loop3A_460 : f32 to vector<16xf32>
        %parallel_loop3A_462 = arith.mulf %parallel_loop3A_459, %parallel_loop3A_461 : vector<16xf32>
        %parallel_loop3A_463 = arith.constant 1 : i32
        %parallel_loop3A_464 = arith.index_cast %parallel_loop3A_463 : i32 to index
        %parallel_loop3A_465 = arith.index_cast %parallel_loop3A_437 : i32 to index
        %parallel_loop3A_466 = arith.constant 16 : index
        %parallel_loop3A_467 = tpu.vector_load %arg7[%parallel_loop3A_464, %parallel_loop3A_465, %parallel_loop3A_466] {strides = array<i32>} : memref<5x128x64xf32, #tpu.memory_space<vmem>>, vector<1x1x16xf32>,
        %parallel_loop3A_468 = vector.shape_cast %parallel_loop3A_467 : vector<1x1x16xf32> to vector<16xf32>
        %parallel_loop3A_469 = vector.shape_cast %parallel_loop3A_462 : vector<16xf32> to vector<1x1x16xf32>
        tpu.vector_store %arg7[%parallel_loop3A_464, %parallel_loop3A_465, %parallel_loop3A_466], %parallel_loop3A_469 {strides = array<i32>} : memref<5x128x64xf32, #tpu.memory_space<vmem>>, vector<1x1x16xf32>,
        %parallel_loop3A_470 = arith.constant 1 : i32
        %parallel_loop3A_471 = arith.index_cast %parallel_loop3A_470 : i32 to index
        %parallel_loop3A_472 = arith.index_cast %parallel_loop3A_437 : i32 to index
        %parallel_loop3A_473 = arith.constant 32 : index
        %parallel_loop3A_474 = tpu.vector_load %arg6[%parallel_loop3A_471, %parallel_loop3A_472, %parallel_loop3A_473] {strides = array<i32>} : memref<5x128x64xf32, #tpu.memory_space<vmem>>, vector<1x1x16xf32>,
        %parallel_loop3A_475 = vector.shape_cast %parallel_loop3A_474 : vector<1x1x16xf32> to vector<16xf32>
        %parallel_loop3A_476 = arith.constant 8.000000e+00 : f32
        %parallel_loop3A_477 = vector.broadcast %parallel_loop3A_476 : f32 to vector<16xf32>
        %parallel_loop3A_478 = arith.mulf %parallel_loop3A_475, %parallel_loop3A_477 : vector<16xf32>
        %parallel_loop3A_479 = arith.constant 1 : i32
        %parallel_loop3A_480 = arith.index_cast %parallel_loop3A_479 : i32 to index
        %parallel_loop3A_481 = arith.index_cast %parallel_loop3A_437 : i32 to index
        %parallel_loop3A_482 = arith.constant 32 : index
        %parallel_loop3A_483 = tpu.vector_load %arg7[%parallel_loop3A_480, %parallel_loop3A_481, %parallel_loop3A_482] {strides = array<i32>} : memref<5x128x64xf32, #tpu.memory_space<vmem>>, vector<1x1x16xf32>,
        %parallel_loop3A_484 = vector.shape_cast %parallel_loop3A_483 : vector<1x1x16xf32> to vector<16xf32>
        %parallel_loop3A_485 = vector.shape_cast %parallel_loop3A_478 : vector<16xf32> to vector<1x1x16xf32>
        tpu.vector_store %arg7[%parallel_loop3A_480, %parallel_loop3A_481, %parallel_loop3A_482], %parallel_loop3A_485 {strides = array<i32>} : memref<5x128x64xf32, #tpu.memory_space<vmem>>, vector<1x1x16xf32>,
        %parallel_loop3A_486 = arith.constant 1 : i32
        %parallel_loop3A_487 = arith.index_cast %parallel_loop3A_486 : i32 to index
        %parallel_loop3A_488 = arith.index_cast %parallel_loop3A_437 : i32 to index
        %parallel_loop3A_489 = arith.constant 48 : index
        %parallel_loop3A_490 = tpu.vector_load %arg6[%parallel_loop3A_487, %parallel_loop3A_488, %parallel_loop3A_489] {strides = array<i32>} : memref<5x128x64xf32, #tpu.memory_space<vmem>>, vector<1x1x16xf32>,
        %parallel_loop3A_491 = vector.shape_cast %parallel_loop3A_490 : vector<1x1x16xf32> to vector<16xf32>
        %parallel_loop3A_492 = arith.constant 8.000000e+00 : f32
        %parallel_loop3A_493 = vector.broadcast %parallel_loop3A_492 : f32 to vector<16xf32>
        %parallel_loop3A_494 = arith.mulf %parallel_loop3A_491, %parallel_loop3A_493 : vector<16xf32>
        %parallel_loop3A_495 = arith.constant 1 : i32
        %parallel_loop3A_496 = arith.index_cast %parallel_loop3A_495 : i32 to index
        %parallel_loop3A_497 = arith.index_cast %parallel_loop3A_437 : i32 to index
        %parallel_loop3A_498 = arith.constant 48 : index
        %parallel_loop3A_499 = tpu.vector_load %arg7[%parallel_loop3A_496, %parallel_loop3A_497, %parallel_loop3A_498] {strides = array<i32>} : memref<5x128x64xf32, #tpu.memory_space<vmem>>, vector<1x1x16xf32>,
        %parallel_loop3A_500 = vector.shape_cast %parallel_loop3A_499 : vector<1x1x16xf32> to vector<16xf32>
        %parallel_loop3A_501 = vector.shape_cast %parallel_loop3A_494 : vector<16xf32> to vector<1x1x16xf32>
        tpu.vector_store %arg7[%parallel_loop3A_496, %parallel_loop3A_497, %parallel_loop3A_498], %parallel_loop3A_501 {strides = array<i32>} : memref<5x128x64xf32, #tpu.memory_space<vmem>>, vector<1x1x16xf32>,
      } {sc.loop_unroll_factor = 8 : i64, sc.parallel_access}
      %lt3A_251 = arith.constant 39 : i32
      %lt3A_252 = arith.cmpi slt, %scan3A_171, %lt3A_251 : i32
      %convert_element_type3A_253 = arith.extui %lt3A_252 : i1 to i32
      %cond3A_254 = arith.constant 0 : i32
      %cond3A_255 = arith.cmpi ne, %convert_element_type3A_253, %cond3A_254 : i32
      scf.if %cond3A_255 {
        %add3A_437 = arith.constant 5 : i32
        %add3A_438 = arith.addi %add3A_224, %add3A_437 : i32
        %dma_start3A_439 = arith.constant 1 : i32
        %dma_start3A_440 = arith.constant 1 : i32
        %dma_start3A_441 = arith.constant 0 : i32
        %dma_start3A_442 = arith.constant 0 : i32
        %dma_start3A_443 = tpu.memref_slice %arg6[%dma_start3A_439, %dma_start3A_441, %dma_start3A_442] : memref<5x128x64xf32, #tpu.memory_space<vmem>> -> memref<1x128x64xf32, #tpu.memory_space<vmem>>
        %dma_start3A_444 = tpu.memref_squeeze %dma_start3A_443 : memref<1x128x64xf32, #tpu.memory_space<vmem>> -> memref<128x64xf32, #tpu.memory_space<vmem>>
        %dma_start3A_445 = arith.constant 0 : i32
        %dma_start3A_446 = tpu.memref_slice %arg5[%add3A_438, %dma_start3A_445] : memref<200x128xi32, #tpu.memory_space<vmem>> -> memref<1x128xi32, #tpu.memory_space<vmem>>
        %dma_start3A_447 = tpu.memref_squeeze %dma_start3A_446 : memref<1x128xi32, #tpu.memory_space<vmem>> -> memref<128xi32, #tpu.memory_space<vmem>>
        %dma_start3A_448 = arith.constant 0 : i32
        %dma_start3A_449 = arith.constant 0 : i32
        %dma_start3A_450 = tpu.memref_slice %arg3[%dma_start3A_448, %dma_start3A_449] : memref<1000000x64xf32, #tpu.memory_space<hbm>> -> memref<1000000x64xf32, #tpu.memory_space<hbm>>
        %dma_start3A_451 = tpu.memref_slice %arg8[%dma_start3A_440] : memref<5x!tpu.dma_semaphore, #tpu.memory_space<semaphore_mem>> -> memref<1x!tpu.dma_semaphore, #tpu.memory_space<semaphore_mem>>
        %dma_start3A_452 = tpu.memref_squeeze %dma_start3A_451 : memref<1x!tpu.dma_semaphore, #tpu.memory_space<semaphore_mem>> -> memref<!tpu.dma_semaphore, #tpu.memory_space<semaphore_mem>>
        tpu.enqueue_indirect_dma source(%dma_start3A_450 : memref<1000000x64xf32, #tpu.memory_space<hbm>>) target(%dma_start3A_444 : memref<128x64xf32, #tpu.memory_space<vmem>>) offsets(%dma_start3A_447 : memref<128xi32, #tpu.memory_space<vmem>>) semaphore(%dma_start3A_452 : memref<!tpu.dma_semaphore, #tpu.memory_space<semaphore_mem>>)
      } else {
      }
      %mul3A_256 = arith.constant 128 : i32
      %mul3A_257 = arith.muli %add3A_224, %mul3A_256 : i32
      %add3A_258 = arith.addi %mul3A_2, %mul3A_257 : i32
      %dma_start3A_259 = arith.constant 1 : i32
      %dma_start3A_260 = arith.constant 1 : i32
      %dma_start3A_261 = arith.constant 0 : i32
      %dma_start3A_262 = arith.constant 0 : i32
      %dma_start3A_263 = tpu.memref_slice %arg7[%dma_start3A_259, %dma_start3A_261, %dma_start3A_262] : memref<5x128x64xf32, #tpu.memory_space<vmem>> -> memref<1x128x64xf32, #tpu.memory_space<vmem>>
      %dma_start3A_264 = tpu.memref_squeeze %dma_start3A_263 : memref<1x128x64xf32, #tpu.memory_space<vmem>> -> memref<128x64xf32, #tpu.memory_space<vmem>>
      %dma_start3A_265 = arith.constant 0 : i32
      %dma_start3A_266 = tpu.memref_slice %arg4[%add3A_258, %dma_start3A_265] : memref<819200x64xf32, #tpu.memory_space<hbm>> -> memref<128x64xf32, #tpu.memory_space<hbm>>
      %dma_start3A_267 = tpu.memref_slice %arg9[%dma_start3A_260] : memref<5x!tpu.dma_semaphore, #tpu.memory_space<semaphore_mem>> -> memref<1x!tpu.dma_semaphore, #tpu.memory_space<semaphore_mem>>
      %dma_start3A_268 = tpu.memref_squeeze %dma_start3A_267 : memref<1x!tpu.dma_semaphore, #tpu.memory_space<semaphore_mem>> -> memref<!tpu.dma_semaphore, #tpu.memory_space<semaphore_mem>>
      %dma_start3A_269 = arith.constant 0 : i32
      %dma_start3A_270 = tpu.memref_slice %arg4[%add3A_258, %dma_start3A_269] : memref<819200x64xf32, #tpu.memory_space<hbm>> -> memref<128x64xf32, #tpu.memory_space<hbm>>
      %dma_start3A_271 = arith.constant 0 : i32
      %dma_start3A_272 = arith.constant 0 : i32
      %dma_start3A_273 = tpu.memref_slice %arg7[%dma_start3A_259, %dma_start3A_271, %dma_start3A_272] : memref<5x128x64xf32, #tpu.memory_space<vmem>> -> memref<1x128x64xf32, #tpu.memory_space<vmem>>
      %dma_start3A_274 = tpu.memref_squeeze %dma_start3A_273 : memref<1x128x64xf32, #tpu.memory_space<vmem>> -> memref<128x64xf32, #tpu.memory_space<vmem>>
      tpu.enqueue_dma source(%dma_start3A_274 : memref<128x64xf32, #tpu.memory_space<vmem>>) target(%dma_start3A_270 : memref<128x64xf32, #tpu.memory_space<hbm>>) target_semaphore(%dma_start3A_268 : memref<!tpu.dma_semaphore, #tpu.memory_space<semaphore_mem>>)
      %mul3A_275 = arith.constant 5 : i32
      %mul3A_276 = arith.muli %scan3A_171, %mul3A_275 : i32
      %add3A_277 = arith.constant 2 : i32
      %add3A_278 = arith.addi %mul3A_276, %add3A_277 : i32
      %gt3A_279 = arith.constant 0 : i32
      %gt3A_280 = arith.cmpi sgt, %scan3A_171, %gt3A_279 : i32
      %convert_element_type3A_281 = arith.extui %gt3A_280 : i1 to i32
      %cond3A_282 = arith.constant 0 : i32
      %cond3A_283 = arith.cmpi ne, %convert_element_type3A_281, %cond3A_282 : i32
      scf.if %cond3A_283 {
        %dma_wait3A_437 = arith.constant 2 : i32
        %dma_wait3A_438 = arith.constant 2 : i32
        %dma_wait3A_439 = arith.constant 0 : i32
        %dma_wait3A_440 = arith.constant 0 : i32
        %dma_wait3A_441 = tpu.memref_slice %arg7[%dma_wait3A_437, %dma_wait3A_439, %dma_wait3A_440] : memref<5x128x64xf32, #tpu.memory_space<vmem>> -> memref<1x128x64xf32, #tpu.memory_space<vmem>>
        %dma_wait3A_442 = tpu.memref_squeeze %dma_wait3A_441 : memref<1x128x64xf32, #tpu.memory_space<vmem>> -> memref<128x64xf32, #tpu.memory_space<vmem>>
        %dma_wait3A_443 = arith.constant 0 : i32
        %dma_wait3A_444 = arith.constant 0 : i32
        %dma_wait3A_445 = tpu.memref_slice %arg4[%dma_wait3A_443, %dma_wait3A_444] : memref<819200x64xf32, #tpu.memory_space<hbm>> -> memref<128x64xf32, #tpu.memory_space<hbm>>
        %dma_wait3A_446 = tpu.memref_slice %arg9[%dma_wait3A_438] : memref<5x!tpu.dma_semaphore, #tpu.memory_space<semaphore_mem>> -> memref<1x!tpu.dma_semaphore, #tpu.memory_space<semaphore_mem>>
        %dma_wait3A_447 = tpu.memref_squeeze %dma_wait3A_446 : memref<1x!tpu.dma_semaphore, #tpu.memory_space<semaphore_mem>> -> memref<!tpu.dma_semaphore, #tpu.memory_space<semaphore_mem>>
        %dma_wait3A_448 = arith.constant 0 : i32
        %dma_wait3A_449 = arith.constant 0 : i32
        %dma_wait3A_450 = tpu.memref_slice %arg4[%dma_wait3A_448, %dma_wait3A_449] : memref<819200x64xf32, #tpu.memory_space<hbm>> -> memref<128x64xf32, #tpu.memory_space<hbm>>
        %dma_wait3A_451 = arith.constant 0 : i32
        %dma_wait3A_452 = arith.constant 0 : i32
        %dma_wait3A_453 = tpu.memref_slice %arg7[%dma_wait3A_437, %dma_wait3A_451, %dma_wait3A_452] : memref<5x128x64xf32, #tpu.memory_space<vmem>> -> memref<1x128x64xf32, #tpu.memory_space<vmem>>
        %dma_wait3A_454 = tpu.memref_squeeze %dma_wait3A_453 : memref<1x128x64xf32, #tpu.memory_space<vmem>> -> memref<128x64xf32, #tpu.memory_space<vmem>>
        tpu.wait_dma2 semaphore(%dma_wait3A_447 : memref<!tpu.dma_semaphore, #tpu.memory_space<semaphore_mem>>) src(%dma_wait3A_454 : memref<128x64xf32, #tpu.memory_space<vmem>>) dst(%dma_wait3A_450 : memref<128x64xf32, #tpu.memory_space<hbm>>)
      } else {
      }
      %dma_wait3A_284 = arith.constant 2 : i32
      %dma_wait3A_285 = arith.constant 2 : i32
      %dma_wait3A_286 = arith.constant 0 : i32
      %dma_wait3A_287 = arith.constant 0 : i32
      %dma_wait3A_288 = tpu.memref_slice %arg6[%dma_wait3A_284, %dma_wait3A_286, %dma_wait3A_287] : memref<5x128x64xf32, #tpu.memory_space<vmem>> -> memref<1x128x64xf32, #tpu.memory_space<vmem>>
      %dma_wait3A_289 = tpu.memref_squeeze %dma_wait3A_288 : memref<1x128x64xf32, #tpu.memory_space<vmem>> -> memref<128x64xf32, #tpu.memory_space<vmem>>
      %dma_wait3A_290 = arith.constant 0 : i32
      %dma_wait3A_291 = arith.constant 0 : i32
      %dma_wait3A_292 = tpu.memref_slice %arg3[%dma_wait3A_290, %dma_wait3A_291] : memref<1000000x64xf32, #tpu.memory_space<hbm>> -> memref<128x64xf32, #tpu.memory_space<hbm>>
      %dma_wait3A_293 = tpu.memref_slice %arg8[%dma_wait3A_285] : memref<5x!tpu.dma_semaphore, #tpu.memory_space<semaphore_mem>> -> memref<1x!tpu.dma_semaphore, #tpu.memory_space<semaphore_mem>>
      %dma_wait3A_294 = tpu.memref_squeeze %dma_wait3A_293 : memref<1x!tpu.dma_semaphore, #tpu.memory_space<semaphore_mem>> -> memref<!tpu.dma_semaphore, #tpu.memory_space<semaphore_mem>>
      %dma_wait3A_295 = arith.constant 0 : i32
      %dma_wait3A_296 = arith.constant 0 : i32
      %dma_wait3A_297 = tpu.memref_slice %arg6[%dma_wait3A_284, %dma_wait3A_295, %dma_wait3A_296] : memref<5x128x64xf32, #tpu.memory_space<vmem>> -> memref<1x128x64xf32, #tpu.memory_space<vmem>>
      %dma_wait3A_298 = tpu.memref_squeeze %dma_wait3A_297 : memref<1x128x64xf32, #tpu.memory_space<vmem>> -> memref<128x64xf32, #tpu.memory_space<vmem>>
      %dma_wait3A_299 = arith.constant 0 : i32
      %dma_wait3A_300 = arith.constant 0 : i32
      %dma_wait3A_301 = tpu.memref_slice %arg3[%dma_wait3A_299, %dma_wait3A_300] : memref<1000000x64xf32, #tpu.memory_space<hbm>> -> memref<128x64xf32, #tpu.memory_space<hbm>>
      tpu.wait_dma2 semaphore(%dma_wait3A_294 : memref<!tpu.dma_semaphore, #tpu.memory_space<semaphore_mem>>) src(%dma_wait3A_301 : memref<128x64xf32, #tpu.memory_space<hbm>>) dst(%dma_wait3A_298 : memref<128x64xf32, #tpu.memory_space<vmem>>)
      %parallel_loop3A_302 = arith.constant 0 : i32
      %parallel_loop3A_303 = arith.constant 128 : i32
      %parallel_loop3A_304 = arith.constant 1 : i32
      scf.for %parallel_loop3A_437 = %parallel_loop3A_302 to %parallel_loop3A_303 step %parallel_loop3A_304  : i32 {
        %parallel_loop3A_438 = arith.constant 2 : i32
        %parallel_loop3A_439 = arith.index_cast %parallel_loop3A_438 : i32 to index
        %parallel_loop3A_440 = arith.index_cast %parallel_loop3A_437 : i32 to index
        %parallel_loop3A_441 = arith.constant 0 : index
        %parallel_loop3A_442 = tpu.vector_load %arg6[%parallel_loop3A_439, %parallel_loop3A_440, %parallel_loop3A_441] {strides = array<i32>} : memref<5x128x64xf32, #tpu.memory_space<vmem>>, vector<1x1x16xf32>,
        %parallel_loop3A_443 = vector.shape_cast %parallel_loop3A_442 : vector<1x1x16xf32> to vector<16xf32>
        %parallel_loop3A_444 = arith.constant 8.000000e+00 : f32
        %parallel_loop3A_445 = vector.broadcast %parallel_loop3A_444 : f32 to vector<16xf32>
        %parallel_loop3A_446 = arith.mulf %parallel_loop3A_443, %parallel_loop3A_445 : vector<16xf32>
        %parallel_loop3A_447 = arith.constant 2 : i32
        %parallel_loop3A_448 = arith.index_cast %parallel_loop3A_447 : i32 to index
        %parallel_loop3A_449 = arith.index_cast %parallel_loop3A_437 : i32 to index
        %parallel_loop3A_450 = arith.constant 0 : index
        %parallel_loop3A_451 = tpu.vector_load %arg7[%parallel_loop3A_448, %parallel_loop3A_449, %parallel_loop3A_450] {strides = array<i32>} : memref<5x128x64xf32, #tpu.memory_space<vmem>>, vector<1x1x16xf32>,
        %parallel_loop3A_452 = vector.shape_cast %parallel_loop3A_451 : vector<1x1x16xf32> to vector<16xf32>
        %parallel_loop3A_453 = vector.shape_cast %parallel_loop3A_446 : vector<16xf32> to vector<1x1x16xf32>
        tpu.vector_store %arg7[%parallel_loop3A_448, %parallel_loop3A_449, %parallel_loop3A_450], %parallel_loop3A_453 {strides = array<i32>} : memref<5x128x64xf32, #tpu.memory_space<vmem>>, vector<1x1x16xf32>,
        %parallel_loop3A_454 = arith.constant 2 : i32
        %parallel_loop3A_455 = arith.index_cast %parallel_loop3A_454 : i32 to index
        %parallel_loop3A_456 = arith.index_cast %parallel_loop3A_437 : i32 to index
        %parallel_loop3A_457 = arith.constant 16 : index
        %parallel_loop3A_458 = tpu.vector_load %arg6[%parallel_loop3A_455, %parallel_loop3A_456, %parallel_loop3A_457] {strides = array<i32>} : memref<5x128x64xf32, #tpu.memory_space<vmem>>, vector<1x1x16xf32>,
        %parallel_loop3A_459 = vector.shape_cast %parallel_loop3A_458 : vector<1x1x16xf32> to vector<16xf32>
        %parallel_loop3A_460 = arith.constant 8.000000e+00 : f32
        %parallel_loop3A_461 = vector.broadcast %parallel_loop3A_460 : f32 to vector<16xf32>
        %parallel_loop3A_462 = arith.mulf %parallel_loop3A_459, %parallel_loop3A_461 : vector<16xf32>
        %parallel_loop3A_463 = arith.constant 2 : i32
        %parallel_loop3A_464 = arith.index_cast %parallel_loop3A_463 : i32 to index
        %parallel_loop3A_465 = arith.index_cast %parallel_loop3A_437 : i32 to index
        %parallel_loop3A_466 = arith.constant 16 : index
        %parallel_loop3A_467 = tpu.vector_load %arg7[%parallel_loop3A_464, %parallel_loop3A_465, %parallel_loop3A_466] {strides = array<i32>} : memref<5x128x64xf32, #tpu.memory_space<vmem>>, vector<1x1x16xf32>,
        %parallel_loop3A_468 = vector.shape_cast %parallel_loop3A_467 : vector<1x1x16xf32> to vector<16xf32>
        %parallel_loop3A_469 = vector.shape_cast %parallel_loop3A_462 : vector<16xf32> to vector<1x1x16xf32>
        tpu.vector_store %arg7[%parallel_loop3A_464, %parallel_loop3A_465, %parallel_loop3A_466], %parallel_loop3A_469 {strides = array<i32>} : memref<5x128x64xf32, #tpu.memory_space<vmem>>, vector<1x1x16xf32>,
        %parallel_loop3A_470 = arith.constant 2 : i32
        %parallel_loop3A_471 = arith.index_cast %parallel_loop3A_470 : i32 to index
        %parallel_loop3A_472 = arith.index_cast %parallel_loop3A_437 : i32 to index
        %parallel_loop3A_473 = arith.constant 32 : index
        %parallel_loop3A_474 = tpu.vector_load %arg6[%parallel_loop3A_471, %parallel_loop3A_472, %parallel_loop3A_473] {strides = array<i32>} : memref<5x128x64xf32, #tpu.memory_space<vmem>>, vector<1x1x16xf32>,
        %parallel_loop3A_475 = vector.shape_cast %parallel_loop3A_474 : vector<1x1x16xf32> to vector<16xf32>
        %parallel_loop3A_476 = arith.constant 8.000000e+00 : f32
        %parallel_loop3A_477 = vector.broadcast %parallel_loop3A_476 : f32 to vector<16xf32>
        %parallel_loop3A_478 = arith.mulf %parallel_loop3A_475, %parallel_loop3A_477 : vector<16xf32>
        %parallel_loop3A_479 = arith.constant 2 : i32
        %parallel_loop3A_480 = arith.index_cast %parallel_loop3A_479 : i32 to index
        %parallel_loop3A_481 = arith.index_cast %parallel_loop3A_437 : i32 to index
        %parallel_loop3A_482 = arith.constant 32 : index
        %parallel_loop3A_483 = tpu.vector_load %arg7[%parallel_loop3A_480, %parallel_loop3A_481, %parallel_loop3A_482] {strides = array<i32>} : memref<5x128x64xf32, #tpu.memory_space<vmem>>, vector<1x1x16xf32>,
        %parallel_loop3A_484 = vector.shape_cast %parallel_loop3A_483 : vector<1x1x16xf32> to vector<16xf32>
        %parallel_loop3A_485 = vector.shape_cast %parallel_loop3A_478 : vector<16xf32> to vector<1x1x16xf32>
        tpu.vector_store %arg7[%parallel_loop3A_480, %parallel_loop3A_481, %parallel_loop3A_482], %parallel_loop3A_485 {strides = array<i32>} : memref<5x128x64xf32, #tpu.memory_space<vmem>>, vector<1x1x16xf32>,
        %parallel_loop3A_486 = arith.constant 2 : i32
        %parallel_loop3A_487 = arith.index_cast %parallel_loop3A_486 : i32 to index
        %parallel_loop3A_488 = arith.index_cast %parallel_loop3A_437 : i32 to index
        %parallel_loop3A_489 = arith.constant 48 : index
        %parallel_loop3A_490 = tpu.vector_load %arg6[%parallel_loop3A_487, %parallel_loop3A_488, %parallel_loop3A_489] {strides = array<i32>} : memref<5x128x64xf32, #tpu.memory_space<vmem>>, vector<1x1x16xf32>,
        %parallel_loop3A_491 = vector.shape_cast %parallel_loop3A_490 : vector<1x1x16xf32> to vector<16xf32>
        %parallel_loop3A_492 = arith.constant 8.000000e+00 : f32
        %parallel_loop3A_493 = vector.broadcast %parallel_loop3A_492 : f32 to vector<16xf32>
        %parallel_loop3A_494 = arith.mulf %parallel_loop3A_491, %parallel_loop3A_493 : vector<16xf32>
        %parallel_loop3A_495 = arith.constant 2 : i32
        %parallel_loop3A_496 = arith.index_cast %parallel_loop3A_495 : i32 to index
        %parallel_loop3A_497 = arith.index_cast %parallel_loop3A_437 : i32 to index
        %parallel_loop3A_498 = arith.constant 48 : index
        %parallel_loop3A_499 = tpu.vector_load %arg7[%parallel_loop3A_496, %parallel_loop3A_497, %parallel_loop3A_498] {strides = array<i32>} : memref<5x128x64xf32, #tpu.memory_space<vmem>>, vector<1x1x16xf32>,
        %parallel_loop3A_500 = vector.shape_cast %parallel_loop3A_499 : vector<1x1x16xf32> to vector<16xf32>
        %parallel_loop3A_501 = vector.shape_cast %parallel_loop3A_494 : vector<16xf32> to vector<1x1x16xf32>
        tpu.vector_store %arg7[%parallel_loop3A_496, %parallel_loop3A_497, %parallel_loop3A_498], %parallel_loop3A_501 {strides = array<i32>} : memref<5x128x64xf32, #tpu.memory_space<vmem>>, vector<1x1x16xf32>,
      } {sc.loop_unroll_factor = 8 : i64, sc.parallel_access}
      %lt3A_305 = arith.constant 39 : i32
      %lt3A_306 = arith.cmpi slt, %scan3A_171, %lt3A_305 : i32
      %convert_element_type3A_307 = arith.extui %lt3A_306 : i1 to i32
      %cond3A_308 = arith.constant 0 : i32
      %cond3A_309 = arith.cmpi ne, %convert_element_type3A_307, %cond3A_308 : i32
      scf.if %cond3A_309 {
        %add3A_437 = arith.constant 5 : i32
        %add3A_438 = arith.addi %add3A_278, %add3A_437 : i32
        %dma_start3A_439 = arith.constant 2 : i32
        %dma_start3A_440 = arith.constant 2 : i32
        %dma_start3A_441 = arith.constant 0 : i32
        %dma_start3A_442 = arith.constant 0 : i32
        %dma_start3A_443 = tpu.memref_slice %arg6[%dma_start3A_439, %dma_start3A_441, %dma_start3A_442] : memref<5x128x64xf32, #tpu.memory_space<vmem>> -> memref<1x128x64xf32, #tpu.memory_space<vmem>>
        %dma_start3A_444 = tpu.memref_squeeze %dma_start3A_443 : memref<1x128x64xf32, #tpu.memory_space<vmem>> -> memref<128x64xf32, #tpu.memory_space<vmem>>
        %dma_start3A_445 = arith.constant 0 : i32
        %dma_start3A_446 = tpu.memref_slice %arg5[%add3A_438, %dma_start3A_445] : memref<200x128xi32, #tpu.memory_space<vmem>> -> memref<1x128xi32, #tpu.memory_space<vmem>>
        %dma_start3A_447 = tpu.memref_squeeze %dma_start3A_446 : memref<1x128xi32, #tpu.memory_space<vmem>> -> memref<128xi32, #tpu.memory_space<vmem>>
        %dma_start3A_448 = arith.constant 0 : i32
        %dma_start3A_449 = arith.constant 0 : i32
        %dma_start3A_450 = tpu.memref_slice %arg3[%dma_start3A_448, %dma_start3A_449] : memref<1000000x64xf32, #tpu.memory_space<hbm>> -> memref<1000000x64xf32, #tpu.memory_space<hbm>>
        %dma_start3A_451 = tpu.memref_slice %arg8[%dma_start3A_440] : memref<5x!tpu.dma_semaphore, #tpu.memory_space<semaphore_mem>> -> memref<1x!tpu.dma_semaphore, #tpu.memory_space<semaphore_mem>>
        %dma_start3A_452 = tpu.memref_squeeze %dma_start3A_451 : memref<1x!tpu.dma_semaphore, #tpu.memory_space<semaphore_mem>> -> memref<!tpu.dma_semaphore, #tpu.memory_space<semaphore_mem>>
        tpu.enqueue_indirect_dma source(%dma_start3A_450 : memref<1000000x64xf32, #tpu.memory_space<hbm>>) target(%dma_start3A_444 : memref<128x64xf32, #tpu.memory_space<vmem>>) offsets(%dma_start3A_447 : memref<128xi32, #tpu.memory_space<vmem>>) semaphore(%dma_start3A_452 : memref<!tpu.dma_semaphore, #tpu.memory_space<semaphore_mem>>)
      } else {
      }
      %mul3A_310 = arith.constant 128 : i32
      %mul3A_311 = arith.muli %add3A_278, %mul3A_310 : i32
      %add3A_312 = arith.addi %mul3A_2, %mul3A_311 : i32
      %dma_start3A_313 = arith.constant 2 : i32
      %dma_start3A_314 = arith.constant 2 : i32
      %dma_start3A_315 = arith.constant 0 : i32
      %dma_start3A_316 = arith.constant 0 : i32
      %dma_start3A_317 = tpu.memref_slice %arg7[%dma_start3A_313, %dma_start3A_315, %dma_start3A_316] : memref<5x128x64xf32, #tpu.memory_space<vmem>> -> memref<1x128x64xf32, #tpu.memory_space<vmem>>
      %dma_start3A_318 = tpu.memref_squeeze %dma_start3A_317 : memref<1x128x64xf32, #tpu.memory_space<vmem>> -> memref<128x64xf32, #tpu.memory_space<vmem>>
      %dma_start3A_319 = arith.constant 0 : i32
      %dma_start3A_320 = tpu.memref_slice %arg4[%add3A_312, %dma_start3A_319] : memref<819200x64xf32, #tpu.memory_space<hbm>> -> memref<128x64xf32, #tpu.memory_space<hbm>>
      %dma_start3A_321 = tpu.memref_slice %arg9[%dma_start3A_314] : memref<5x!tpu.dma_semaphore, #tpu.memory_space<semaphore_mem>> -> memref<1x!tpu.dma_semaphore, #tpu.memory_space<semaphore_mem>>
      %dma_start3A_322 = tpu.memref_squeeze %dma_start3A_321 : memref<1x!tpu.dma_semaphore, #tpu.memory_space<semaphore_mem>> -> memref<!tpu.dma_semaphore, #tpu.memory_space<semaphore_mem>>
      %dma_start3A_323 = arith.constant 0 : i32
      %dma_start3A_324 = tpu.memref_slice %arg4[%add3A_312, %dma_start3A_323] : memref<819200x64xf32, #tpu.memory_space<hbm>> -> memref<128x64xf32, #tpu.memory_space<hbm>>
      %dma_start3A_325 = arith.constant 0 : i32
      %dma_start3A_326 = arith.constant 0 : i32
      %dma_start3A_327 = tpu.memref_slice %arg7[%dma_start3A_313, %dma_start3A_325, %dma_start3A_326] : memref<5x128x64xf32, #tpu.memory_space<vmem>> -> memref<1x128x64xf32, #tpu.memory_space<vmem>>
      %dma_start3A_328 = tpu.memref_squeeze %dma_start3A_327 : memref<1x128x64xf32, #tpu.memory_space<vmem>> -> memref<128x64xf32, #tpu.memory_space<vmem>>
      tpu.enqueue_dma source(%dma_start3A_328 : memref<128x64xf32, #tpu.memory_space<vmem>>) target(%dma_start3A_324 : memref<128x64xf32, #tpu.memory_space<hbm>>) target_semaphore(%dma_start3A_322 : memref<!tpu.dma_semaphore, #tpu.memory_space<semaphore_mem>>)
      %mul3A_329 = arith.constant 5 : i32
      %mul3A_330 = arith.muli %scan3A_171, %mul3A_329 : i32
      %add3A_331 = arith.constant 3 : i32
      %add3A_332 = arith.addi %mul3A_330, %add3A_331 : i32
      %gt3A_333 = arith.constant 0 : i32
      %gt3A_334 = arith.cmpi sgt, %scan3A_171, %gt3A_333 : i32
      %convert_element_type3A_335 = arith.extui %gt3A_334 : i1 to i32
      %cond3A_336 = arith.constant 0 : i32
      %cond3A_337 = arith.cmpi ne, %convert_element_type3A_335, %cond3A_336 : i32
      scf.if %cond3A_337 {
        %dma_wait3A_437 = arith.constant 3 : i32
        %dma_wait3A_438 = arith.constant 3 : i32
        %dma_wait3A_439 = arith.constant 0 : i32
        %dma_wait3A_440 = arith.constant 0 : i32
        %dma_wait3A_441 = tpu.memref_slice %arg7[%dma_wait3A_437, %dma_wait3A_439, %dma_wait3A_440] : memref<5x128x64xf32, #tpu.memory_space<vmem>> -> memref<1x128x64xf32, #tpu.memory_space<vmem>>
        %dma_wait3A_442 = tpu.memref_squeeze %dma_wait3A_441 : memref<1x128x64xf32, #tpu.memory_space<vmem>> -> memref<128x64xf32, #tpu.memory_space<vmem>>
        %dma_wait3A_443 = arith.constant 0 : i32
        %dma_wait3A_444 = arith.constant 0 : i32
        %dma_wait3A_445 = tpu.memref_slice %arg4[%dma_wait3A_443, %dma_wait3A_444] : memref<819200x64xf32, #tpu.memory_space<hbm>> -> memref<128x64xf32, #tpu.memory_space<hbm>>
        %dma_wait3A_446 = tpu.memref_slice %arg9[%dma_wait3A_438] : memref<5x!tpu.dma_semaphore, #tpu.memory_space<semaphore_mem>> -> memref<1x!tpu.dma_semaphore, #tpu.memory_space<semaphore_mem>>
        %dma_wait3A_447 = tpu.memref_squeeze %dma_wait3A_446 : memref<1x!tpu.dma_semaphore, #tpu.memory_space<semaphore_mem>> -> memref<!tpu.dma_semaphore, #tpu.memory_space<semaphore_mem>>
        %dma_wait3A_448 = arith.constant 0 : i32
        %dma_wait3A_449 = arith.constant 0 : i32
        %dma_wait3A_450 = tpu.memref_slice %arg4[%dma_wait3A_448, %dma_wait3A_449] : memref<819200x64xf32, #tpu.memory_space<hbm>> -> memref<128x64xf32, #tpu.memory_space<hbm>>
        %dma_wait3A_451 = arith.constant 0 : i32
        %dma_wait3A_452 = arith.constant 0 : i32
        %dma_wait3A_453 = tpu.memref_slice %arg7[%dma_wait3A_437, %dma_wait3A_451, %dma_wait3A_452] : memref<5x128x64xf32, #tpu.memory_space<vmem>> -> memref<1x128x64xf32, #tpu.memory_space<vmem>>
        %dma_wait3A_454 = tpu.memref_squeeze %dma_wait3A_453 : memref<1x128x64xf32, #tpu.memory_space<vmem>> -> memref<128x64xf32, #tpu.memory_space<vmem>>
        tpu.wait_dma2 semaphore(%dma_wait3A_447 : memref<!tpu.dma_semaphore, #tpu.memory_space<semaphore_mem>>) src(%dma_wait3A_454 : memref<128x64xf32, #tpu.memory_space<vmem>>) dst(%dma_wait3A_450 : memref<128x64xf32, #tpu.memory_space<hbm>>)
      } else {
      }
      %dma_wait3A_338 = arith.constant 3 : i32
      %dma_wait3A_339 = arith.constant 3 : i32
      %dma_wait3A_340 = arith.constant 0 : i32
      %dma_wait3A_341 = arith.constant 0 : i32
      %dma_wait3A_342 = tpu.memref_slice %arg6[%dma_wait3A_338, %dma_wait3A_340, %dma_wait3A_341] : memref<5x128x64xf32, #tpu.memory_space<vmem>> -> memref<1x128x64xf32, #tpu.memory_space<vmem>>
      %dma_wait3A_343 = tpu.memref_squeeze %dma_wait3A_342 : memref<1x128x64xf32, #tpu.memory_space<vmem>> -> memref<128x64xf32, #tpu.memory_space<vmem>>
      %dma_wait3A_344 = arith.constant 0 : i32
      %dma_wait3A_345 = arith.constant 0 : i32
      %dma_wait3A_346 = tpu.memref_slice %arg3[%dma_wait3A_344, %dma_wait3A_345] : memref<1000000x64xf32, #tpu.memory_space<hbm>> -> memref<128x64xf32, #tpu.memory_space<hbm>>
      %dma_wait3A_347 = tpu.memref_slice %arg8[%dma_wait3A_339] : memref<5x!tpu.dma_semaphore, #tpu.memory_space<semaphore_mem>> -> memref<1x!tpu.dma_semaphore, #tpu.memory_space<semaphore_mem>>
      %dma_wait3A_348 = tpu.memref_squeeze %dma_wait3A_347 : memref<1x!tpu.dma_semaphore, #tpu.memory_space<semaphore_mem>> -> memref<!tpu.dma_semaphore, #tpu.memory_space<semaphore_mem>>
      %dma_wait3A_349 = arith.constant 0 : i32
      %dma_wait3A_350 = arith.constant 0 : i32
      %dma_wait3A_351 = tpu.memref_slice %arg6[%dma_wait3A_338, %dma_wait3A_349, %dma_wait3A_350] : memref<5x128x64xf32, #tpu.memory_space<vmem>> -> memref<1x128x64xf32, #tpu.memory_space<vmem>>
      %dma_wait3A_352 = tpu.memref_squeeze %dma_wait3A_351 : memref<1x128x64xf32, #tpu.memory_space<vmem>> -> memref<128x64xf32, #tpu.memory_space<vmem>>
      %dma_wait3A_353 = arith.constant 0 : i32
      %dma_wait3A_354 = arith.constant 0 : i32
      %dma_wait3A_355 = tpu.memref_slice %arg3[%dma_wait3A_353, %dma_wait3A_354] : memref<1000000x64xf32, #tpu.memory_space<hbm>> -> memref<128x64xf32, #tpu.memory_space<hbm>>
      tpu.wait_dma2 semaphore(%dma_wait3A_348 : memref<!tpu.dma_semaphore, #tpu.memory_space<semaphore_mem>>) src(%dma_wait3A_355 : memref<128x64xf32, #tpu.memory_space<hbm>>) dst(%dma_wait3A_352 : memref<128x64xf32, #tpu.memory_space<vmem>>)
      %parallel_loop3A_356 = arith.constant 0 : i32
      %parallel_loop3A_357 = arith.constant 128 : i32
      %parallel_loop3A_358 = arith.constant 1 : i32
      scf.for %parallel_loop3A_437 = %parallel_loop3A_356 to %parallel_loop3A_357 step %parallel_loop3A_358  : i32 {
        %parallel_loop3A_438 = arith.constant 3 : i32
        %parallel_loop3A_439 = arith.index_cast %parallel_loop3A_438 : i32 to index
        %parallel_loop3A_440 = arith.index_cast %parallel_loop3A_437 : i32 to index
        %parallel_loop3A_441 = arith.constant 0 : index
        %parallel_loop3A_442 = tpu.vector_load %arg6[%parallel_loop3A_439, %parallel_loop3A_440, %parallel_loop3A_441] {strides = array<i32>} : memref<5x128x64xf32, #tpu.memory_space<vmem>>, vector<1x1x16xf32>,
        %parallel_loop3A_443 = vector.shape_cast %parallel_loop3A_442 : vector<1x1x16xf32> to vector<16xf32>
        %parallel_loop3A_444 = arith.constant 8.000000e+00 : f32
        %parallel_loop3A_445 = vector.broadcast %parallel_loop3A_444 : f32 to vector<16xf32>
        %parallel_loop3A_446 = arith.mulf %parallel_loop3A_443, %parallel_loop3A_445 : vector<16xf32>
        %parallel_loop3A_447 = arith.constant 3 : i32
        %parallel_loop3A_448 = arith.index_cast %parallel_loop3A_447 : i32 to index
        %parallel_loop3A_449 = arith.index_cast %parallel_loop3A_437 : i32 to index
        %parallel_loop3A_450 = arith.constant 0 : index
        %parallel_loop3A_451 = tpu.vector_load %arg7[%parallel_loop3A_448, %parallel_loop3A_449, %parallel_loop3A_450] {strides = array<i32>} : memref<5x128x64xf32, #tpu.memory_space<vmem>>, vector<1x1x16xf32>,
        %parallel_loop3A_452 = vector.shape_cast %parallel_loop3A_451 : vector<1x1x16xf32> to vector<16xf32>
        %parallel_loop3A_453 = vector.shape_cast %parallel_loop3A_446 : vector<16xf32> to vector<1x1x16xf32>
        tpu.vector_store %arg7[%parallel_loop3A_448, %parallel_loop3A_449, %parallel_loop3A_450], %parallel_loop3A_453 {strides = array<i32>} : memref<5x128x64xf32, #tpu.memory_space<vmem>>, vector<1x1x16xf32>,
        %parallel_loop3A_454 = arith.constant 3 : i32
        %parallel_loop3A_455 = arith.index_cast %parallel_loop3A_454 : i32 to index
        %parallel_loop3A_456 = arith.index_cast %parallel_loop3A_437 : i32 to index
        %parallel_loop3A_457 = arith.constant 16 : index
        %parallel_loop3A_458 = tpu.vector_load %arg6[%parallel_loop3A_455, %parallel_loop3A_456, %parallel_loop3A_457] {strides = array<i32>} : memref<5x128x64xf32, #tpu.memory_space<vmem>>, vector<1x1x16xf32>,
        %parallel_loop3A_459 = vector.shape_cast %parallel_loop3A_458 : vector<1x1x16xf32> to vector<16xf32>
        %parallel_loop3A_460 = arith.constant 8.000000e+00 : f32
        %parallel_loop3A_461 = vector.broadcast %parallel_loop3A_460 : f32 to vector<16xf32>
        %parallel_loop3A_462 = arith.mulf %parallel_loop3A_459, %parallel_loop3A_461 : vector<16xf32>
        %parallel_loop3A_463 = arith.constant 3 : i32
        %parallel_loop3A_464 = arith.index_cast %parallel_loop3A_463 : i32 to index
        %parallel_loop3A_465 = arith.index_cast %parallel_loop3A_437 : i32 to index
        %parallel_loop3A_466 = arith.constant 16 : index
        %parallel_loop3A_467 = tpu.vector_load %arg7[%parallel_loop3A_464, %parallel_loop3A_465, %parallel_loop3A_466] {strides = array<i32>} : memref<5x128x64xf32, #tpu.memory_space<vmem>>, vector<1x1x16xf32>,
        %parallel_loop3A_468 = vector.shape_cast %parallel_loop3A_467 : vector<1x1x16xf32> to vector<16xf32>
        %parallel_loop3A_469 = vector.shape_cast %parallel_loop3A_462 : vector<16xf32> to vector<1x1x16xf32>
        tpu.vector_store %arg7[%parallel_loop3A_464, %parallel_loop3A_465, %parallel_loop3A_466], %parallel_loop3A_469 {strides = array<i32>} : memref<5x128x64xf32, #tpu.memory_space<vmem>>, vector<1x1x16xf32>,
        %parallel_loop3A_470 = arith.constant 3 : i32
        %parallel_loop3A_471 = arith.index_cast %parallel_loop3A_470 : i32 to index
        %parallel_loop3A_472 = arith.index_cast %parallel_loop3A_437 : i32 to index
        %parallel_loop3A_473 = arith.constant 32 : index
        %parallel_loop3A_474 = tpu.vector_load %arg6[%parallel_loop3A_471, %parallel_loop3A_472, %parallel_loop3A_473] {strides = array<i32>} : memref<5x128x64xf32, #tpu.memory_space<vmem>>, vector<1x1x16xf32>,
        %parallel_loop3A_475 = vector.shape_cast %parallel_loop3A_474 : vector<1x1x16xf32> to vector<16xf32>
        %parallel_loop3A_476 = arith.constant 8.000000e+00 : f32
        %parallel_loop3A_477 = vector.broadcast %parallel_loop3A_476 : f32 to vector<16xf32>
        %parallel_loop3A_478 = arith.mulf %parallel_loop3A_475, %parallel_loop3A_477 : vector<16xf32>
        %parallel_loop3A_479 = arith.constant 3 : i32
        %parallel_loop3A_480 = arith.index_cast %parallel_loop3A_479 : i32 to index
        %parallel_loop3A_481 = arith.index_cast %parallel_loop3A_437 : i32 to index
        %parallel_loop3A_482 = arith.constant 32 : index
        %parallel_loop3A_483 = tpu.vector_load %arg7[%parallel_loop3A_480, %parallel_loop3A_481, %parallel_loop3A_482] {strides = array<i32>} : memref<5x128x64xf32, #tpu.memory_space<vmem>>, vector<1x1x16xf32>,
        %parallel_loop3A_484 = vector.shape_cast %parallel_loop3A_483 : vector<1x1x16xf32> to vector<16xf32>
        %parallel_loop3A_485 = vector.shape_cast %parallel_loop3A_478 : vector<16xf32> to vector<1x1x16xf32>
        tpu.vector_store %arg7[%parallel_loop3A_480, %parallel_loop3A_481, %parallel_loop3A_482], %parallel_loop3A_485 {strides = array<i32>} : memref<5x128x64xf32, #tpu.memory_space<vmem>>, vector<1x1x16xf32>,
        %parallel_loop3A_486 = arith.constant 3 : i32
        %parallel_loop3A_487 = arith.index_cast %parallel_loop3A_486 : i32 to index
        %parallel_loop3A_488 = arith.index_cast %parallel_loop3A_437 : i32 to index
        %parallel_loop3A_489 = arith.constant 48 : index
        %parallel_loop3A_490 = tpu.vector_load %arg6[%parallel_loop3A_487, %parallel_loop3A_488, %parallel_loop3A_489] {strides = array<i32>} : memref<5x128x64xf32, #tpu.memory_space<vmem>>, vector<1x1x16xf32>,
        %parallel_loop3A_491 = vector.shape_cast %parallel_loop3A_490 : vector<1x1x16xf32> to vector<16xf32>
        %parallel_loop3A_492 = arith.constant 8.000000e+00 : f32
        %parallel_loop3A_493 = vector.broadcast %parallel_loop3A_492 : f32 to vector<16xf32>
        %parallel_loop3A_494 = arith.mulf %parallel_loop3A_491, %parallel_loop3A_493 : vector<16xf32>
        %parallel_loop3A_495 = arith.constant 3 : i32
        %parallel_loop3A_496 = arith.index_cast %parallel_loop3A_495 : i32 to index
        %parallel_loop3A_497 = arith.index_cast %parallel_loop3A_437 : i32 to index
        %parallel_loop3A_498 = arith.constant 48 : index
        %parallel_loop3A_499 = tpu.vector_load %arg7[%parallel_loop3A_496, %parallel_loop3A_497, %parallel_loop3A_498] {strides = array<i32>} : memref<5x128x64xf32, #tpu.memory_space<vmem>>, vector<1x1x16xf32>,
        %parallel_loop3A_500 = vector.shape_cast %parallel_loop3A_499 : vector<1x1x16xf32> to vector<16xf32>
        %parallel_loop3A_501 = vector.shape_cast %parallel_loop3A_494 : vector<16xf32> to vector<1x1x16xf32>
        tpu.vector_store %arg7[%parallel_loop3A_496, %parallel_loop3A_497, %parallel_loop3A_498], %parallel_loop3A_501 {strides = array<i32>} : memref<5x128x64xf32, #tpu.memory_space<vmem>>, vector<1x1x16xf32>,
      } {sc.loop_unroll_factor = 8 : i64, sc.parallel_access}
      %lt3A_359 = arith.constant 39 : i32
      %lt3A_360 = arith.cmpi slt, %scan3A_171, %lt3A_359 : i32
      %convert_element_type3A_361 = arith.extui %lt3A_360 : i1 to i32
      %cond3A_362 = arith.constant 0 : i32
      %cond3A_363 = arith.cmpi ne, %convert_element_type3A_361, %cond3A_362 : i32
      scf.if %cond3A_363 {
        %add3A_437 = arith.constant 5 : i32
        %add3A_438 = arith.addi %add3A_332, %add3A_437 : i32
        %dma_start3A_439 = arith.constant 3 : i32
        %dma_start3A_440 = arith.constant 3 : i32
        %dma_start3A_441 = arith.constant 0 : i32
        %dma_start3A_442 = arith.constant 0 : i32
        %dma_start3A_443 = tpu.memref_slice %arg6[%dma_start3A_439, %dma_start3A_441, %dma_start3A_442] : memref<5x128x64xf32, #tpu.memory_space<vmem>> -> memref<1x128x64xf32, #tpu.memory_space<vmem>>
        %dma_start3A_444 = tpu.memref_squeeze %dma_start3A_443 : memref<1x128x64xf32, #tpu.memory_space<vmem>> -> memref<128x64xf32, #tpu.memory_space<vmem>>
        %dma_start3A_445 = arith.constant 0 : i32
        %dma_start3A_446 = tpu.memref_slice %arg5[%add3A_438, %dma_start3A_445] : memref<200x128xi32, #tpu.memory_space<vmem>> -> memref<1x128xi32, #tpu.memory_space<vmem>>
        %dma_start3A_447 = tpu.memref_squeeze %dma_start3A_446 : memref<1x128xi32, #tpu.memory_space<vmem>> -> memref<128xi32, #tpu.memory_space<vmem>>
        %dma_start3A_448 = arith.constant 0 : i32
        %dma_start3A_449 = arith.constant 0 : i32
        %dma_start3A_450 = tpu.memref_slice %arg3[%dma_start3A_448, %dma_start3A_449] : memref<1000000x64xf32, #tpu.memory_space<hbm>> -> memref<1000000x64xf32, #tpu.memory_space<hbm>>
        %dma_start3A_451 = tpu.memref_slice %arg8[%dma_start3A_440] : memref<5x!tpu.dma_semaphore, #tpu.memory_space<semaphore_mem>> -> memref<1x!tpu.dma_semaphore, #tpu.memory_space<semaphore_mem>>
        %dma_start3A_452 = tpu.memref_squeeze %dma_start3A_451 : memref<1x!tpu.dma_semaphore, #tpu.memory_space<semaphore_mem>> -> memref<!tpu.dma_semaphore, #tpu.memory_space<semaphore_mem>>
        tpu.enqueue_indirect_dma source(%dma_start3A_450 : memref<1000000x64xf32, #tpu.memory_space<hbm>>) target(%dma_start3A_444 : memref<128x64xf32, #tpu.memory_space<vmem>>) offsets(%dma_start3A_447 : memref<128xi32, #tpu.memory_space<vmem>>) semaphore(%dma_start3A_452 : memref<!tpu.dma_semaphore, #tpu.memory_space<semaphore_mem>>)
      } else {
      }
      %mul3A_364 = arith.constant 128 : i32
      %mul3A_365 = arith.muli %add3A_332, %mul3A_364 : i32
      %add3A_366 = arith.addi %mul3A_2, %mul3A_365 : i32
      %dma_start3A_367 = arith.constant 3 : i32
      %dma_start3A_368 = arith.constant 3 : i32
      %dma_start3A_369 = arith.constant 0 : i32
      %dma_start3A_370 = arith.constant 0 : i32
      %dma_start3A_371 = tpu.memref_slice %arg7[%dma_start3A_367, %dma_start3A_369, %dma_start3A_370] : memref<5x128x64xf32, #tpu.memory_space<vmem>> -> memref<1x128x64xf32, #tpu.memory_space<vmem>>
      %dma_start3A_372 = tpu.memref_squeeze %dma_start3A_371 : memref<1x128x64xf32, #tpu.memory_space<vmem>> -> memref<128x64xf32, #tpu.memory_space<vmem>>
      %dma_start3A_373 = arith.constant 0 : i32
      %dma_start3A_374 = tpu.memref_slice %arg4[%add3A_366, %dma_start3A_373] : memref<819200x64xf32, #tpu.memory_space<hbm>> -> memref<128x64xf32, #tpu.memory_space<hbm>>
      %dma_start3A_375 = tpu.memref_slice %arg9[%dma_start3A_368] : memref<5x!tpu.dma_semaphore, #tpu.memory_space<semaphore_mem>> -> memref<1x!tpu.dma_semaphore, #tpu.memory_space<semaphore_mem>>
      %dma_start3A_376 = tpu.memref_squeeze %dma_start3A_375 : memref<1x!tpu.dma_semaphore, #tpu.memory_space<semaphore_mem>> -> memref<!tpu.dma_semaphore, #tpu.memory_space<semaphore_mem>>
      %dma_start3A_377 = arith.constant 0 : i32
      %dma_start3A_378 = tpu.memref_slice %arg4[%add3A_366, %dma_start3A_377] : memref<819200x64xf32, #tpu.memory_space<hbm>> -> memref<128x64xf32, #tpu.memory_space<hbm>>
      %dma_start3A_379 = arith.constant 0 : i32
      %dma_start3A_380 = arith.constant 0 : i32
      %dma_start3A_381 = tpu.memref_slice %arg7[%dma_start3A_367, %dma_start3A_379, %dma_start3A_380] : memref<5x128x64xf32, #tpu.memory_space<vmem>> -> memref<1x128x64xf32, #tpu.memory_space<vmem>>
      %dma_start3A_382 = tpu.memref_squeeze %dma_start3A_381 : memref<1x128x64xf32, #tpu.memory_space<vmem>> -> memref<128x64xf32, #tpu.memory_space<vmem>>
      tpu.enqueue_dma source(%dma_start3A_382 : memref<128x64xf32, #tpu.memory_space<vmem>>) target(%dma_start3A_378 : memref<128x64xf32, #tpu.memory_space<hbm>>) target_semaphore(%dma_start3A_376 : memref<!tpu.dma_semaphore, #tpu.memory_space<semaphore_mem>>)
      %mul3A_383 = arith.constant 5 : i32
      %mul3A_384 = arith.muli %scan3A_171, %mul3A_383 : i32
      %add3A_385 = arith.constant 4 : i32
      %add3A_386 = arith.addi %mul3A_384, %add3A_385 : i32
      %gt3A_387 = arith.constant 0 : i32
      %gt3A_388 = arith.cmpi sgt, %scan3A_171, %gt3A_387 : i32
      %convert_element_type3A_389 = arith.extui %gt3A_388 : i1 to i32
      %cond3A_390 = arith.constant 0 : i32
      %cond3A_391 = arith.cmpi ne, %convert_element_type3A_389, %cond3A_390 : i32
      scf.if %cond3A_391 {
        %dma_wait3A_437 = arith.constant 4 : i32
        %dma_wait3A_438 = arith.constant 4 : i32
        %dma_wait3A_439 = arith.constant 0 : i32
        %dma_wait3A_440 = arith.constant 0 : i32
        %dma_wait3A_441 = tpu.memref_slice %arg7[%dma_wait3A_437, %dma_wait3A_439, %dma_wait3A_440] : memref<5x128x64xf32, #tpu.memory_space<vmem>> -> memref<1x128x64xf32, #tpu.memory_space<vmem>>
        %dma_wait3A_442 = tpu.memref_squeeze %dma_wait3A_441 : memref<1x128x64xf32, #tpu.memory_space<vmem>> -> memref<128x64xf32, #tpu.memory_space<vmem>>
        %dma_wait3A_443 = arith.constant 0 : i32
        %dma_wait3A_444 = arith.constant 0 : i32
        %dma_wait3A_445 = tpu.memref_slice %arg4[%dma_wait3A_443, %dma_wait3A_444] : memref<819200x64xf32, #tpu.memory_space<hbm>> -> memref<128x64xf32, #tpu.memory_space<hbm>>
        %dma_wait3A_446 = tpu.memref_slice %arg9[%dma_wait3A_438] : memref<5x!tpu.dma_semaphore, #tpu.memory_space<semaphore_mem>> -> memref<1x!tpu.dma_semaphore, #tpu.memory_space<semaphore_mem>>
        %dma_wait3A_447 = tpu.memref_squeeze %dma_wait3A_446 : memref<1x!tpu.dma_semaphore, #tpu.memory_space<semaphore_mem>> -> memref<!tpu.dma_semaphore, #tpu.memory_space<semaphore_mem>>
        %dma_wait3A_448 = arith.constant 0 : i32
        %dma_wait3A_449 = arith.constant 0 : i32
        %dma_wait3A_450 = tpu.memref_slice %arg4[%dma_wait3A_448, %dma_wait3A_449] : memref<819200x64xf32, #tpu.memory_space<hbm>> -> memref<128x64xf32, #tpu.memory_space<hbm>>
        %dma_wait3A_451 = arith.constant 0 : i32
        %dma_wait3A_452 = arith.constant 0 : i32
        %dma_wait3A_453 = tpu.memref_slice %arg7[%dma_wait3A_437, %dma_wait3A_451, %dma_wait3A_452] : memref<5x128x64xf32, #tpu.memory_space<vmem>> -> memref<1x128x64xf32, #tpu.memory_space<vmem>>
        %dma_wait3A_454 = tpu.memref_squeeze %dma_wait3A_453 : memref<1x128x64xf32, #tpu.memory_space<vmem>> -> memref<128x64xf32, #tpu.memory_space<vmem>>
        tpu.wait_dma2 semaphore(%dma_wait3A_447 : memref<!tpu.dma_semaphore, #tpu.memory_space<semaphore_mem>>) src(%dma_wait3A_454 : memref<128x64xf32, #tpu.memory_space<vmem>>) dst(%dma_wait3A_450 : memref<128x64xf32, #tpu.memory_space<hbm>>)
      } else {
      }
      %dma_wait3A_392 = arith.constant 4 : i32
      %dma_wait3A_393 = arith.constant 4 : i32
      %dma_wait3A_394 = arith.constant 0 : i32
      %dma_wait3A_395 = arith.constant 0 : i32
      %dma_wait3A_396 = tpu.memref_slice %arg6[%dma_wait3A_392, %dma_wait3A_394, %dma_wait3A_395] : memref<5x128x64xf32, #tpu.memory_space<vmem>> -> memref<1x128x64xf32, #tpu.memory_space<vmem>>
      %dma_wait3A_397 = tpu.memref_squeeze %dma_wait3A_396 : memref<1x128x64xf32, #tpu.memory_space<vmem>> -> memref<128x64xf32, #tpu.memory_space<vmem>>
      %dma_wait3A_398 = arith.constant 0 : i32
      %dma_wait3A_399 = arith.constant 0 : i32
      %dma_wait3A_400 = tpu.memref_slice %arg3[%dma_wait3A_398, %dma_wait3A_399] : memref<1000000x64xf32, #tpu.memory_space<hbm>> -> memref<128x64xf32, #tpu.memory_space<hbm>>
      %dma_wait3A_401 = tpu.memref_slice %arg8[%dma_wait3A_393] : memref<5x!tpu.dma_semaphore, #tpu.memory_space<semaphore_mem>> -> memref<1x!tpu.dma_semaphore, #tpu.memory_space<semaphore_mem>>
      %dma_wait3A_402 = tpu.memref_squeeze %dma_wait3A_401 : memref<1x!tpu.dma_semaphore, #tpu.memory_space<semaphore_mem>> -> memref<!tpu.dma_semaphore, #tpu.memory_space<semaphore_mem>>
      %dma_wait3A_403 = arith.constant 0 : i32
      %dma_wait3A_404 = arith.constant 0 : i32
      %dma_wait3A_405 = tpu.memref_slice %arg6[%dma_wait3A_392, %dma_wait3A_403, %dma_wait3A_404] : memref<5x128x64xf32, #tpu.memory_space<vmem>> -> memref<1x128x64xf32, #tpu.memory_space<vmem>>
      %dma_wait3A_406 = tpu.memref_squeeze %dma_wait3A_405 : memref<1x128x64xf32, #tpu.memory_space<vmem>> -> memref<128x64xf32, #tpu.memory_space<vmem>>
      %dma_wait3A_407 = arith.constant 0 : i32
      %dma_wait3A_408 = arith.constant 0 : i32
      %dma_wait3A_409 = tpu.memref_slice %arg3[%dma_wait3A_407, %dma_wait3A_408] : memref<1000000x64xf32, #tpu.memory_space<hbm>> -> memref<128x64xf32, #tpu.memory_space<hbm>>
      tpu.wait_dma2 semaphore(%dma_wait3A_402 : memref<!tpu.dma_semaphore, #tpu.memory_space<semaphore_mem>>) src(%dma_wait3A_409 : memref<128x64xf32, #tpu.memory_space<hbm>>) dst(%dma_wait3A_406 : memref<128x64xf32, #tpu.memory_space<vmem>>)
      %parallel_loop3A_410 = arith.constant 0 : i32
      %parallel_loop3A_411 = arith.constant 128 : i32
      %parallel_loop3A_412 = arith.constant 1 : i32
      scf.for %parallel_loop3A_437 = %parallel_loop3A_410 to %parallel_loop3A_411 step %parallel_loop3A_412  : i32 {
        %parallel_loop3A_438 = arith.constant 4 : i32
        %parallel_loop3A_439 = arith.index_cast %parallel_loop3A_438 : i32 to index
        %parallel_loop3A_440 = arith.index_cast %parallel_loop3A_437 : i32 to index
        %parallel_loop3A_441 = arith.constant 0 : index
        %parallel_loop3A_442 = tpu.vector_load %arg6[%parallel_loop3A_439, %parallel_loop3A_440, %parallel_loop3A_441] {strides = array<i32>} : memref<5x128x64xf32, #tpu.memory_space<vmem>>, vector<1x1x16xf32>,
        %parallel_loop3A_443 = vector.shape_cast %parallel_loop3A_442 : vector<1x1x16xf32> to vector<16xf32>
        %parallel_loop3A_444 = arith.constant 8.000000e+00 : f32
        %parallel_loop3A_445 = vector.broadcast %parallel_loop3A_444 : f32 to vector<16xf32>
        %parallel_loop3A_446 = arith.mulf %parallel_loop3A_443, %parallel_loop3A_445 : vector<16xf32>
        %parallel_loop3A_447 = arith.constant 4 : i32
        %parallel_loop3A_448 = arith.index_cast %parallel_loop3A_447 : i32 to index
        %parallel_loop3A_449 = arith.index_cast %parallel_loop3A_437 : i32 to index
        %parallel_loop3A_450 = arith.constant 0 : index
        %parallel_loop3A_451 = tpu.vector_load %arg7[%parallel_loop3A_448, %parallel_loop3A_449, %parallel_loop3A_450] {strides = array<i32>} : memref<5x128x64xf32, #tpu.memory_space<vmem>>, vector<1x1x16xf32>,
        %parallel_loop3A_452 = vector.shape_cast %parallel_loop3A_451 : vector<1x1x16xf32> to vector<16xf32>
        %parallel_loop3A_453 = vector.shape_cast %parallel_loop3A_446 : vector<16xf32> to vector<1x1x16xf32>
        tpu.vector_store %arg7[%parallel_loop3A_448, %parallel_loop3A_449, %parallel_loop3A_450], %parallel_loop3A_453 {strides = array<i32>} : memref<5x128x64xf32, #tpu.memory_space<vmem>>, vector<1x1x16xf32>,
        %parallel_loop3A_454 = arith.constant 4 : i32
        %parallel_loop3A_455 = arith.index_cast %parallel_loop3A_454 : i32 to index
        %parallel_loop3A_456 = arith.index_cast %parallel_loop3A_437 : i32 to index
        %parallel_loop3A_457 = arith.constant 16 : index
        %parallel_loop3A_458 = tpu.vector_load %arg6[%parallel_loop3A_455, %parallel_loop3A_456, %parallel_loop3A_457] {strides = array<i32>} : memref<5x128x64xf32, #tpu.memory_space<vmem>>, vector<1x1x16xf32>,
        %parallel_loop3A_459 = vector.shape_cast %parallel_loop3A_458 : vector<1x1x16xf32> to vector<16xf32>
        %parallel_loop3A_460 = arith.constant 8.000000e+00 : f32
        %parallel_loop3A_461 = vector.broadcast %parallel_loop3A_460 : f32 to vector<16xf32>
        %parallel_loop3A_462 = arith.mulf %parallel_loop3A_459, %parallel_loop3A_461 : vector<16xf32>
        %parallel_loop3A_463 = arith.constant 4 : i32
        %parallel_loop3A_464 = arith.index_cast %parallel_loop3A_463 : i32 to index
        %parallel_loop3A_465 = arith.index_cast %parallel_loop3A_437 : i32 to index
        %parallel_loop3A_466 = arith.constant 16 : index
        %parallel_loop3A_467 = tpu.vector_load %arg7[%parallel_loop3A_464, %parallel_loop3A_465, %parallel_loop3A_466] {strides = array<i32>} : memref<5x128x64xf32, #tpu.memory_space<vmem>>, vector<1x1x16xf32>,
        %parallel_loop3A_468 = vector.shape_cast %parallel_loop3A_467 : vector<1x1x16xf32> to vector<16xf32>
        %parallel_loop3A_469 = vector.shape_cast %parallel_loop3A_462 : vector<16xf32> to vector<1x1x16xf32>
        tpu.vector_store %arg7[%parallel_loop3A_464, %parallel_loop3A_465, %parallel_loop3A_466], %parallel_loop3A_469 {strides = array<i32>} : memref<5x128x64xf32, #tpu.memory_space<vmem>>, vector<1x1x16xf32>,
        %parallel_loop3A_470 = arith.constant 4 : i32
        %parallel_loop3A_471 = arith.index_cast %parallel_loop3A_470 : i32 to index
        %parallel_loop3A_472 = arith.index_cast %parallel_loop3A_437 : i32 to index
        %parallel_loop3A_473 = arith.constant 32 : index
        %parallel_loop3A_474 = tpu.vector_load %arg6[%parallel_loop3A_471, %parallel_loop3A_472, %parallel_loop3A_473] {strides = array<i32>} : memref<5x128x64xf32, #tpu.memory_space<vmem>>, vector<1x1x16xf32>,
        %parallel_loop3A_475 = vector.shape_cast %parallel_loop3A_474 : vector<1x1x16xf32> to vector<16xf32>
        %parallel_loop3A_476 = arith.constant 8.000000e+00 : f32
        %parallel_loop3A_477 = vector.broadcast %parallel_loop3A_476 : f32 to vector<16xf32>
        %parallel_loop3A_478 = arith.mulf %parallel_loop3A_475, %parallel_loop3A_477 : vector<16xf32>
        %parallel_loop3A_479 = arith.constant 4 : i32
        %parallel_loop3A_480 = arith.index_cast %parallel_loop3A_479 : i32 to index
        %parallel_loop3A_481 = arith.index_cast %parallel_loop3A_437 : i32 to index
        %parallel_loop3A_482 = arith.constant 32 : index
        %parallel_loop3A_483 = tpu.vector_load %arg7[%parallel_loop3A_480, %parallel_loop3A_481, %parallel_loop3A_482] {strides = array<i32>} : memref<5x128x64xf32, #tpu.memory_space<vmem>>, vector<1x1x16xf32>,
        %parallel_loop3A_484 = vector.shape_cast %parallel_loop3A_483 : vector<1x1x16xf32> to vector<16xf32>
        %parallel_loop3A_485 = vector.shape_cast %parallel_loop3A_478 : vector<16xf32> to vector<1x1x16xf32>
        tpu.vector_store %arg7[%parallel_loop3A_480, %parallel_loop3A_481, %parallel_loop3A_482], %parallel_loop3A_485 {strides = array<i32>} : memref<5x128x64xf32, #tpu.memory_space<vmem>>, vector<1x1x16xf32>,
        %parallel_loop3A_486 = arith.constant 4 : i32
        %parallel_loop3A_487 = arith.index_cast %parallel_loop3A_486 : i32 to index
        %parallel_loop3A_488 = arith.index_cast %parallel_loop3A_437 : i32 to index
        %parallel_loop3A_489 = arith.constant 48 : index
        %parallel_loop3A_490 = tpu.vector_load %arg6[%parallel_loop3A_487, %parallel_loop3A_488, %parallel_loop3A_489] {strides = array<i32>} : memref<5x128x64xf32, #tpu.memory_space<vmem>>, vector<1x1x16xf32>,
        %parallel_loop3A_491 = vector.shape_cast %parallel_loop3A_490 : vector<1x1x16xf32> to vector<16xf32>
        %parallel_loop3A_492 = arith.constant 8.000000e+00 : f32
        %parallel_loop3A_493 = vector.broadcast %parallel_loop3A_492 : f32 to vector<16xf32>
        %parallel_loop3A_494 = arith.mulf %parallel_loop3A_491, %parallel_loop3A_493 : vector<16xf32>
        %parallel_loop3A_495 = arith.constant 4 : i32
        %parallel_loop3A_496 = arith.index_cast %parallel_loop3A_495 : i32 to index
        %parallel_loop3A_497 = arith.index_cast %parallel_loop3A_437 : i32 to index
        %parallel_loop3A_498 = arith.constant 48 : index
        %parallel_loop3A_499 = tpu.vector_load %arg7[%parallel_loop3A_496, %parallel_loop3A_497, %parallel_loop3A_498] {strides = array<i32>} : memref<5x128x64xf32, #tpu.memory_space<vmem>>, vector<1x1x16xf32>,
        %parallel_loop3A_500 = vector.shape_cast %parallel_loop3A_499 : vector<1x1x16xf32> to vector<16xf32>
        %parallel_loop3A_501 = vector.shape_cast %parallel_loop3A_494 : vector<16xf32> to vector<1x1x16xf32>
        tpu.vector_store %arg7[%parallel_loop3A_496, %parallel_loop3A_497, %parallel_loop3A_498], %parallel_loop3A_501 {strides = array<i32>} : memref<5x128x64xf32, #tpu.memory_space<vmem>>, vector<1x1x16xf32>,
      } {sc.loop_unroll_factor = 8 : i64, sc.parallel_access}
      %lt3A_413 = arith.constant 39 : i32
      %lt3A_414 = arith.cmpi slt, %scan3A_171, %lt3A_413 : i32
      %convert_element_type3A_415 = arith.extui %lt3A_414 : i1 to i32
      %cond3A_416 = arith.constant 0 : i32
      %cond3A_417 = arith.cmpi ne, %convert_element_type3A_415, %cond3A_416 : i32
      scf.if %cond3A_417 {
        %add3A_437 = arith.constant 5 : i32
        %add3A_438 = arith.addi %add3A_386, %add3A_437 : i32
        %dma_start3A_439 = arith.constant 4 : i32
        %dma_start3A_440 = arith.constant 4 : i32
        %dma_start3A_441 = arith.constant 0 : i32
        %dma_start3A_442 = arith.constant 0 : i32
        %dma_start3A_443 = tpu.memref_slice %arg6[%dma_start3A_439, %dma_start3A_441, %dma_start3A_442] : memref<5x128x64xf32, #tpu.memory_space<vmem>> -> memref<1x128x64xf32, #tpu.memory_space<vmem>>
        %dma_start3A_444 = tpu.memref_squeeze %dma_start3A_443 : memref<1x128x64xf32, #tpu.memory_space<vmem>> -> memref<128x64xf32, #tpu.memory_space<vmem>>
        %dma_start3A_445 = arith.constant 0 : i32
        %dma_start3A_446 = tpu.memref_slice %arg5[%add3A_438, %dma_start3A_445] : memref<200x128xi32, #tpu.memory_space<vmem>> -> memref<1x128xi32, #tpu.memory_space<vmem>>
        %dma_start3A_447 = tpu.memref_squeeze %dma_start3A_446 : memref<1x128xi32, #tpu.memory_space<vmem>> -> memref<128xi32, #tpu.memory_space<vmem>>
        %dma_start3A_448 = arith.constant 0 : i32
        %dma_start3A_449 = arith.constant 0 : i32
        %dma_start3A_450 = tpu.memref_slice %arg3[%dma_start3A_448, %dma_start3A_449] : memref<1000000x64xf32, #tpu.memory_space<hbm>> -> memref<1000000x64xf32, #tpu.memory_space<hbm>>
        %dma_start3A_451 = tpu.memref_slice %arg8[%dma_start3A_440] : memref<5x!tpu.dma_semaphore, #tpu.memory_space<semaphore_mem>> -> memref<1x!tpu.dma_semaphore, #tpu.memory_space<semaphore_mem>>
        %dma_start3A_452 = tpu.memref_squeeze %dma_start3A_451 : memref<1x!tpu.dma_semaphore, #tpu.memory_space<semaphore_mem>> -> memref<!tpu.dma_semaphore, #tpu.memory_space<semaphore_mem>>
        tpu.enqueue_indirect_dma source(%dma_start3A_450 : memref<1000000x64xf32, #tpu.memory_space<hbm>>) target(%dma_start3A_444 : memref<128x64xf32, #tpu.memory_space<vmem>>) offsets(%dma_start3A_447 : memref<128xi32, #tpu.memory_space<vmem>>) semaphore(%dma_start3A_452 : memref<!tpu.dma_semaphore, #tpu.memory_space<semaphore_mem>>)
      } else {
      }
      %mul3A_418 = arith.constant 128 : i32
      %mul3A_419 = arith.muli %add3A_386, %mul3A_418 : i32
      %add3A_420 = arith.addi %mul3A_2, %mul3A_419 : i32
      %dma_start3A_421 = arith.constant 4 : i32
      %dma_start3A_422 = arith.constant 4 : i32
      %dma_start3A_423 = arith.constant 0 : i32
      %dma_start3A_424 = arith.constant 0 : i32
      %dma_start3A_425 = tpu.memref_slice %arg7[%dma_start3A_421, %dma_start3A_423, %dma_start3A_424] : memref<5x128x64xf32, #tpu.memory_space<vmem>> -> memref<1x128x64xf32, #tpu.memory_space<vmem>>
      %dma_start3A_426 = tpu.memref_squeeze %dma_start3A_425 : memref<1x128x64xf32, #tpu.memory_space<vmem>> -> memref<128x64xf32, #tpu.memory_space<vmem>>
      %dma_start3A_427 = arith.constant 0 : i32
      %dma_start3A_428 = tpu.memref_slice %arg4[%add3A_420, %dma_start3A_427] : memref<819200x64xf32, #tpu.memory_space<hbm>> -> memref<128x64xf32, #tpu.memory_space<hbm>>
      %dma_start3A_429 = tpu.memref_slice %arg9[%dma_start3A_422] : memref<5x!tpu.dma_semaphore, #tpu.memory_space<semaphore_mem>> -> memref<1x!tpu.dma_semaphore, #tpu.memory_space<semaphore_mem>>
      %dma_start3A_430 = tpu.memref_squeeze %dma_start3A_429 : memref<1x!tpu.dma_semaphore, #tpu.memory_space<semaphore_mem>> -> memref<!tpu.dma_semaphore, #tpu.memory_space<semaphore_mem>>
      %dma_start3A_431 = arith.constant 0 : i32
      %dma_start3A_432 = tpu.memref_slice %arg4[%add3A_420, %dma_start3A_431] : memref<819200x64xf32, #tpu.memory_space<hbm>> -> memref<128x64xf32, #tpu.memory_space<hbm>>
      %dma_start3A_433 = arith.constant 0 : i32
      %dma_start3A_434 = arith.constant 0 : i32
      %dma_start3A_435 = tpu.memref_slice %arg7[%dma_start3A_421, %dma_start3A_433, %dma_start3A_434] : memref<5x128x64xf32, #tpu.memory_space<vmem>> -> memref<1x128x64xf32, #tpu.memory_space<vmem>>
      %dma_start3A_436 = tpu.memref_squeeze %dma_start3A_435 : memref<1x128x64xf32, #tpu.memory_space<vmem>> -> memref<128x64xf32, #tpu.memory_space<vmem>>
      tpu.enqueue_dma source(%dma_start3A_436 : memref<128x64xf32, #tpu.memory_space<vmem>>) target(%dma_start3A_432 : memref<128x64xf32, #tpu.memory_space<hbm>>) target_semaphore(%dma_start3A_430 : memref<!tpu.dma_semaphore, #tpu.memory_space<semaphore_mem>>)
    }
    %scan3A_81 = arith.constant 40 : i32
    %dma_wait3A = arith.constant 0 : i32
    %dma_wait3A_82 = arith.constant 0 : i32
    %dma_wait3A_83 = arith.constant 0 : i32
    %dma_wait3A_84 = arith.constant 0 : i32
    %dma_wait3A_85 = tpu.memref_slice %arg7[%dma_wait3A, %dma_wait3A_83, %dma_wait3A_84] : memref<5x128x64xf32, #tpu.memory_space<vmem>> -> memref<1x128x64xf32, #tpu.memory_space<vmem>>
    %dma_wait3A_86 = tpu.memref_squeeze %dma_wait3A_85 : memref<1x128x64xf32, #tpu.memory_space<vmem>> -> memref<128x64xf32, #tpu.memory_space<vmem>>
    %dma_wait3A_87 = arith.constant 0 : i32
    %dma_wait3A_88 = arith.constant 0 : i32
    %dma_wait3A_89 = tpu.memref_slice %arg4[%dma_wait3A_87, %dma_wait3A_88] : memref<819200x64xf32, #tpu.memory_space<hbm>> -> memref<128x64xf32, #tpu.memory_space<hbm>>
    %dma_wait3A_90 = tpu.memref_slice %arg9[%dma_wait3A_82] : memref<5x!tpu.dma_semaphore, #tpu.memory_space<semaphore_mem>> -> memref<1x!tpu.dma_semaphore, #tpu.memory_space<semaphore_mem>>
    %dma_wait3A_91 = tpu.memref_squeeze %dma_wait3A_90 : memref<1x!tpu.dma_semaphore, #tpu.memory_space<semaphore_mem>> -> memref<!tpu.dma_semaphore, #tpu.memory_space<semaphore_mem>>
    %dma_wait3A_92 = arith.constant 0 : i32
    %dma_wait3A_93 = arith.constant 0 : i32
    %dma_wait3A_94 = tpu.memref_slice %arg4[%dma_wait3A_92, %dma_wait3A_93] : memref<819200x64xf32, #tpu.memory_space<hbm>> -> memref<128x64xf32, #tpu.memory_space<hbm>>
    %dma_wait3A_95 = arith.constant 0 : i32
    %dma_wait3A_96 = arith.constant 0 : i32
    %dma_wait3A_97 = tpu.memref_slice %arg7[%dma_wait3A, %dma_wait3A_95, %dma_wait3A_96] : memref<5x128x64xf32, #tpu.memory_space<vmem>> -> memref<1x128x64xf32, #tpu.memory_space<vmem>>
    %dma_wait3A_98 = tpu.memref_squeeze %dma_wait3A_97 : memref<1x128x64xf32, #tpu.memory_space<vmem>> -> memref<128x64xf32, #tpu.memory_space<vmem>>
    tpu.wait_dma2 semaphore(%dma_wait3A_91 : memref<!tpu.dma_semaphore, #tpu.memory_space<semaphore_mem>>) src(%dma_wait3A_98 : memref<128x64xf32, #tpu.memory_space<vmem>>) dst(%dma_wait3A_94 : memref<128x64xf32, #tpu.memory_space<hbm>>)
    %dma_wait3A_99 = arith.constant 1 : i32
    %dma_wait3A_100 = arith.constant 1 : i32
    %dma_wait3A_101 = arith.constant 0 : i32
    %dma_wait3A_102 = arith.constant 0 : i32
    %dma_wait3A_103 = tpu.memref_slice %arg7[%dma_wait3A_99, %dma_wait3A_101, %dma_wait3A_102] : memref<5x128x64xf32, #tpu.memory_space<vmem>> -> memref<1x128x64xf32, #tpu.memory_space<vmem>>
    %dma_wait3A_104 = tpu.memref_squeeze %dma_wait3A_103 : memref<1x128x64xf32, #tpu.memory_space<vmem>> -> memref<128x64xf32, #tpu.memory_space<vmem>>
    %dma_wait3A_105 = arith.constant 0 : i32
    %dma_wait3A_106 = arith.constant 0 : i32
    %dma_wait3A_107 = tpu.memref_slice %arg4[%dma_wait3A_105, %dma_wait3A_106] : memref<819200x64xf32, #tpu.memory_space<hbm>> -> memref<128x64xf32, #tpu.memory_space<hbm>>
    %dma_wait3A_108 = tpu.memref_slice %arg9[%dma_wait3A_100] : memref<5x!tpu.dma_semaphore, #tpu.memory_space<semaphore_mem>> -> memref<1x!tpu.dma_semaphore, #tpu.memory_space<semaphore_mem>>
    %dma_wait3A_109 = tpu.memref_squeeze %dma_wait3A_108 : memref<1x!tpu.dma_semaphore, #tpu.memory_space<semaphore_mem>> -> memref<!tpu.dma_semaphore, #tpu.memory_space<semaphore_mem>>
    %dma_wait3A_110 = arith.constant 0 : i32
    %dma_wait3A_111 = arith.constant 0 : i32
    %dma_wait3A_112 = tpu.memref_slice %arg4[%dma_wait3A_110, %dma_wait3A_111] : memref<819200x64xf32, #tpu.memory_space<hbm>> -> memref<128x64xf32, #tpu.memory_space<hbm>>
    %dma_wait3A_113 = arith.constant 0 : i32
    %dma_wait3A_114 = arith.constant 0 : i32
    %dma_wait3A_115 = tpu.memref_slice %arg7[%dma_wait3A_99, %dma_wait3A_113, %dma_wait3A_114] : memref<5x128x64xf32, #tpu.memory_space<vmem>> -> memref<1x128x64xf32, #tpu.memory_space<vmem>>
    %dma_wait3A_116 = tpu.memref_squeeze %dma_wait3A_115 : memref<1x128x64xf32, #tpu.memory_space<vmem>> -> memref<128x64xf32, #tpu.memory_space<vmem>>
    tpu.wait_dma2 semaphore(%dma_wait3A_109 : memref<!tpu.dma_semaphore, #tpu.memory_space<semaphore_mem>>) src(%dma_wait3A_116 : memref<128x64xf32, #tpu.memory_space<vmem>>) dst(%dma_wait3A_112 : memref<128x64xf32, #tpu.memory_space<hbm>>)
    %dma_wait3A_117 = arith.constant 2 : i32
    %dma_wait3A_118 = arith.constant 2 : i32
    %dma_wait3A_119 = arith.constant 0 : i32
    %dma_wait3A_120 = arith.constant 0 : i32
    %dma_wait3A_121 = tpu.memref_slice %arg7[%dma_wait3A_117, %dma_wait3A_119, %dma_wait3A_120] : memref<5x128x64xf32, #tpu.memory_space<vmem>> -> memref<1x128x64xf32, #tpu.memory_space<vmem>>
    %dma_wait3A_122 = tpu.memref_squeeze %dma_wait3A_121 : memref<1x128x64xf32, #tpu.memory_space<vmem>> -> memref<128x64xf32, #tpu.memory_space<vmem>>
    %dma_wait3A_123 = arith.constant 0 : i32
    %dma_wait3A_124 = arith.constant 0 : i32
    %dma_wait3A_125 = tpu.memref_slice %arg4[%dma_wait3A_123, %dma_wait3A_124] : memref<819200x64xf32, #tpu.memory_space<hbm>> -> memref<128x64xf32, #tpu.memory_space<hbm>>
    %dma_wait3A_126 = tpu.memref_slice %arg9[%dma_wait3A_118] : memref<5x!tpu.dma_semaphore, #tpu.memory_space<semaphore_mem>> -> memref<1x!tpu.dma_semaphore, #tpu.memory_space<semaphore_mem>>
    %dma_wait3A_127 = tpu.memref_squeeze %dma_wait3A_126 : memref<1x!tpu.dma_semaphore, #tpu.memory_space<semaphore_mem>> -> memref<!tpu.dma_semaphore, #tpu.memory_space<semaphore_mem>>
    %dma_wait3A_128 = arith.constant 0 : i32
    %dma_wait3A_129 = arith.constant 0 : i32
    %dma_wait3A_130 = tpu.memref_slice %arg4[%dma_wait3A_128, %dma_wait3A_129] : memref<819200x64xf32, #tpu.memory_space<hbm>> -> memref<128x64xf32, #tpu.memory_space<hbm>>
    %dma_wait3A_131 = arith.constant 0 : i32
    %dma_wait3A_132 = arith.constant 0 : i32
    %dma_wait3A_133 = tpu.memref_slice %arg7[%dma_wait3A_117, %dma_wait3A_131, %dma_wait3A_132] : memref<5x128x64xf32, #tpu.memory_space<vmem>> -> memref<1x128x64xf32, #tpu.memory_space<vmem>>
    %dma_wait3A_134 = tpu.memref_squeeze %dma_wait3A_133 : memref<1x128x64xf32, #tpu.memory_space<vmem>> -> memref<128x64xf32, #tpu.memory_space<vmem>>
    tpu.wait_dma2 semaphore(%dma_wait3A_127 : memref<!tpu.dma_semaphore, #tpu.memory_space<semaphore_mem>>) src(%dma_wait3A_134 : memref<128x64xf32, #tpu.memory_space<vmem>>) dst(%dma_wait3A_130 : memref<128x64xf32, #tpu.memory_space<hbm>>)
    %dma_wait3A_135 = arith.constant 3 : i32
    %dma_wait3A_136 = arith.constant 3 : i32
    %dma_wait3A_137 = arith.constant 0 : i32
    %dma_wait3A_138 = arith.constant 0 : i32
    %dma_wait3A_139 = tpu.memref_slice %arg7[%dma_wait3A_135, %dma_wait3A_137, %dma_wait3A_138] : memref<5x128x64xf32, #tpu.memory_space<vmem>> -> memref<1x128x64xf32, #tpu.memory_space<vmem>>
    %dma_wait3A_140 = tpu.memref_squeeze %dma_wait3A_139 : memref<1x128x64xf32, #tpu.memory_space<vmem>> -> memref<128x64xf32, #tpu.memory_space<vmem>>
    %dma_wait3A_141 = arith.constant 0 : i32
    %dma_wait3A_142 = arith.constant 0 : i32
    %dma_wait3A_143 = tpu.memref_slice %arg4[%dma_wait3A_141, %dma_wait3A_142] : memref<819200x64xf32, #tpu.memory_space<hbm>> -> memref<128x64xf32, #tpu.memory_space<hbm>>
    %dma_wait3A_144 = tpu.memref_slice %arg9[%dma_wait3A_136] : memref<5x!tpu.dma_semaphore, #tpu.memory_space<semaphore_mem>> -> memref<1x!tpu.dma_semaphore, #tpu.memory_space<semaphore_mem>>
    %dma_wait3A_145 = tpu.memref_squeeze %dma_wait3A_144 : memref<1x!tpu.dma_semaphore, #tpu.memory_space<semaphore_mem>> -> memref<!tpu.dma_semaphore, #tpu.memory_space<semaphore_mem>>
    %dma_wait3A_146 = arith.constant 0 : i32
    %dma_wait3A_147 = arith.constant 0 : i32
    %dma_wait3A_148 = tpu.memref_slice %arg4[%dma_wait3A_146, %dma_wait3A_147] : memref<819200x64xf32, #tpu.memory_space<hbm>> -> memref<128x64xf32, #tpu.memory_space<hbm>>
    %dma_wait3A_149 = arith.constant 0 : i32
    %dma_wait3A_150 = arith.constant 0 : i32
    %dma_wait3A_151 = tpu.memref_slice %arg7[%dma_wait3A_135, %dma_wait3A_149, %dma_wait3A_150] : memref<5x128x64xf32, #tpu.memory_space<vmem>> -> memref<1x128x64xf32, #tpu.memory_space<vmem>>
    %dma_wait3A_152 = tpu.memref_squeeze %dma_wait3A_151 : memref<1x128x64xf32, #tpu.memory_space<vmem>> -> memref<128x64xf32, #tpu.memory_space<vmem>>
    tpu.wait_dma2 semaphore(%dma_wait3A_145 : memref<!tpu.dma_semaphore, #tpu.memory_space<semaphore_mem>>) src(%dma_wait3A_152 : memref<128x64xf32, #tpu.memory_space<vmem>>) dst(%dma_wait3A_148 : memref<128x64xf32, #tpu.memory_space<hbm>>)
    %dma_wait3A_153 = arith.constant 4 : i32
    %dma_wait3A_154 = arith.constant 4 : i32
    %dma_wait3A_155 = arith.constant 0 : i32
    %dma_wait3A_156 = arith.constant 0 : i32
    %dma_wait3A_157 = tpu.memref_slice %arg7[%dma_wait3A_153, %dma_wait3A_155, %dma_wait3A_156] : memref<5x128x64xf32, #tpu.memory_space<vmem>> -> memref<1x128x64xf32, #tpu.memory_space<vmem>>
    %dma_wait3A_158 = tpu.memref_squeeze %dma_wait3A_157 : memref<1x128x64xf32, #tpu.memory_space<vmem>> -> memref<128x64xf32, #tpu.memory_space<vmem>>
    %dma_wait3A_159 = arith.constant 0 : i32
    %dma_wait3A_160 = arith.constant 0 : i32
    %dma_wait3A_161 = tpu.memref_slice %arg4[%dma_wait3A_159, %dma_wait3A_160] : memref<819200x64xf32, #tpu.memory_space<hbm>> -> memref<128x64xf32, #tpu.memory_space<hbm>>
    %dma_wait3A_162 = tpu.memref_slice %arg9[%dma_wait3A_154] : memref<5x!tpu.dma_semaphore, #tpu.memory_space<semaphore_mem>> -> memref<1x!tpu.dma_semaphore, #tpu.memory_space<semaphore_mem>>
    %dma_wait3A_163 = tpu.memref_squeeze %dma_wait3A_162 : memref<1x!tpu.dma_semaphore, #tpu.memory_space<semaphore_mem>> -> memref<!tpu.dma_semaphore, #tpu.memory_space<semaphore_mem>>
    %dma_wait3A_164 = arith.constant 0 : i32
    %dma_wait3A_165 = arith.constant 0 : i32
    %dma_wait3A_166 = tpu.memref_slice %arg4[%dma_wait3A_164, %dma_wait3A_165] : memref<819200x64xf32, #tpu.memory_space<hbm>> -> memref<128x64xf32, #tpu.memory_space<hbm>>
    %dma_wait3A_167 = arith.constant 0 : i32
    %dma_wait3A_168 = arith.constant 0 : i32
    %dma_wait3A_169 = tpu.memref_slice %arg7[%dma_wait3A_153, %dma_wait3A_167, %dma_wait3A_168] : memref<5x128x64xf32, #tpu.memory_space<vmem>> -> memref<1x128x64xf32, #tpu.memory_space<vmem>>
    %dma_wait3A_170 = tpu.memref_squeeze %dma_wait3A_169 : memref<1x128x64xf32, #tpu.memory_space<vmem>> -> memref<128x64xf32, #tpu.memory_space<vmem>>
    tpu.wait_dma2 semaphore(%dma_wait3A_163 : memref<!tpu.dma_semaphore, #tpu.memory_space<semaphore_mem>>) src(%dma_wait3A_170 : memref<128x64xf32, #tpu.memory_space<vmem>>) dst(%dma_wait3A_166 : memref<128x64xf32, #tpu.memory_space<hbm>>)
    return
  }
}

</mosaic_0001>

<sc_bundles>
// kernel: kernel.3.cloned.1.call-start
scs
__scs_entry_jumppad:
0x0: {  	(pc) =	sbr.rel $0x88, $3  }
0x1: {  	(tag) =	ssettag $0x0;
	lr =	simm.s32 $0x1  }
0x2: {  	[smem:$0x3F9F] =	sst lr;
	_ =	strace $0xD0000000  }
0x3: {  	_ = 	snop  }
0x4: {  	_ = 	snop  }
0x5: {  	_ = 	snop  }
0x6: {  	_ = 	snop  }
0x7: {  	_ = 	snop  }
__scs_overlays_trampoline_lowered:
0x8: {  	[smem:$0x3FAE] =	sst s0  }
0x9: {  	[smem:$0x3FAF] =	sst s1  }
0xa: {  	[smem:$0x3FB0] =	sst s2  }
0xb: {  	[smem:$0x3FB1] =	sst s3  }
0xc: {  	[smem:$0x3FB2] =	sst s4  }
0xd: {  	[smem:$0x3FB3] =	sst s5  }
0xe: {  	[smem:$0x3FB4] =	sst s6  }
0xf: {  	[smem:$0x3FB5] =	sst s7  }
0x10: {  	[smem:$0x3FB6] =	sst s8  }
0x11: {  	[smem:$0x3FB7] =	sst s9;
	s0 =	simm.s32 @!p0 $0x0  }
0x12: {  	s1 =	sld [smem:$0x3F9D];
	s0 =	simm.s32 @p0 $0x1  }
0x13: {  	[smem:$0x3FB8] =	sst s0;
	s0 =	simm.s32 @!p1 $0x0  }
0x14: {  	s2 =	sld [smem:$0x3F9C];
	s0 =	simm.s32 @p1 $0x1  }
0x15: {  	[smem:$0x3FB9] =	sst s0;
	s0 =	simm.s32 @!p2 $0x0  }
0x16: {  	s3 =	sld [smem:$0x3FDB];
	s0 =	simm.s32 @p2 $0x1  }
0x17: {  	s4 =	simm.s32 $0x1BF5;
	[smem:$0x3FBB] =	sst s0  }
0x18: {  	s0 =	sld [smem:$0x3F9E];
	_ =	swait.ge [sflag:s4], $0x0  }
0x19: {  	s7 =	sld [smem:$0x3F9F]  }
0x1a: {  	s8 =	sadd.s32 $0xFFFFE003, lr  }
0x1b: {  	s9 =	sadd.s32 $0xFFFFFEF7, lr;
	s5 =	simm.s32 $0xFFFFFFFF;
	p2 =	slt.u32 s8, $0xFFFFF086  }
0x1c: {  	p1 =	slt.u32 s9, $0xF7A;
	s5 =	simm.s32 @!p2 $0x0  }
0x1d: {  	s5 =	simm.s32 @p1 $0x1;
	p0 =	seq.s32 s7, s2  }
0x1e: {  	s7 =	smul.u32 @!p0 $0xF7A, s2;
	p2 =	seq.s32 @!p0 s5, $0x0  }
0x1f: {  	s9 =	smul.u32 $0xF7A, s1;
	s8 =	simm.s32 @!p0 $0x1BF5;
	p2 =	por !p2, p0  }
0x20: {  	[sflag:s8] =	ssyncset.s32 @!p0 $0xFFFFF086;
	s6 =	sadd.s32 @!p0 s3, s7;
	s7 =	simm.s32 @!p0 $0x108  }
0x21: {  	s3 =	sadd.s32 s3, s9;
	s6 =	sadd.s32 @!p0 $0x88, s6;
	s7 =	simm.s32 @p2 $0x1082  }
0x22: {  	[simem:s7], [sflag:s8] =	dma.local @!p0 [hbm:s6], $0xF7A  }
0x23: {  	s9 =	sor.u32 $0xD0000000, s2;
	s6 =	simm.s32 $0x108;
	_ =	swait.ge @!p0 [sflag:s8], $0x0  }
0x24: {  	s3 =	sadd.s32 $0x88, s3;
	s6 =	simm.s32 @!p1 $0x1082;
	[sflag:s4] =	ssyncset.s32 $0xFFFFF086  }
0x25: {  	[simem:s6], [sflag:s4] =	dma.local [hbm:s3], $0xF7A  }
0x26: {  	[smem:$0x3F9F] =	sst s1;
	(tag) =	ssettag s2;
	_ =	strace s9  }
0x27: {  	s1 =	sld [smem:$0x3FAF]  }
0x28: {  	s2 =	sld [smem:$0x3FB0]  }
0x29: {  	s4 =	sld [smem:$0x3FB2]  }
0x2a: {  	p0 =	seq.s32 s5, $0x0;
	s5 =	sld [smem:$0x3FB3]  }
0x2b: {  	s6 =	sld [smem:$0x3FB4]  }
0x2c: {  	s7 =	sld [smem:$0x3FB5]  }
0x2d: {  	s3 =	simm.s32 $0x108;
	s8 =	sld [smem:$0x3FB6]  }
0x2e: {  	s3 =	simm.s32 @!p0 $0x1082;
	s9 =	sld [smem:$0x3FB7]  }
0x2f: {  	lr =	sadd.s32 s0, s3;
	s0 =	sld [smem:$0x3FAE]  }
0x30: {  	s3 =	sld [smem:$0x3FB1]  }
0x31: {  	[smem:$0x3FBA] =	sst s10  }
0x32: {  	s10 =	sld [smem:$0x3FB8];
	_ =	sdelay $0x3  }
0x33: {  	p0 =	seq.s32 s10, $0x1;
	s10 =	sld [smem:$0x3FBA];
	_ =	sdelay $0x3  }
0x34: {  	[smem:$0x3FBA] =	sst s10  }
0x35: {  	s10 =	sld [smem:$0x3FB9];
	_ =	sdelay $0x3  }
0x36: {  	p1 =	seq.s32 s10, $0x1;
	s10 =	sld [smem:$0x3FBA];
	_ =	sdelay $0x3  }
0x37: {  	[smem:$0x3FBA] =	sst s10  }
0x38: {  	s10 =	sld [smem:$0x3FBB]  }
0x39: {  	_ = 	snop;
	(pc) =	sbr.ind lr, $3  }
0x3a: {  	_ = 	snop  }
0x3b: {  	_ = 	snop  }
0x3c: {  	p2 =	seq.s32 s10, $0x1;
	s10 =	sld [smem:$0x3FBA]  }
0x3d: {  	_ =	shalt  }
0x3e: {  	_ =	shalt  }
0x3f: {  	_ =	shalt  }
0x40: {  	_ =	shalt  }
0x41: {  	_ =	shalt  }
0x42: {  	_ =	shalt  }
0x43: {  	_ =	shalt  }
0x44: {  	_ =	shalt  }
0x45: {  	_ =	shalt  }
0x46: {  	_ =	shalt  }
0x47: {  	_ =	shalt  }
0x48: {  	_ =	shalt  }
0x49: {  	_ =	shalt  }
0x4a: {  	_ =	shalt  }
0x4b: {  	_ =	shalt  }
0x4c: {  	_ =	shalt  }
0x4d: {  	_ =	shalt  }
0x4e: {  	_ =	shalt  }
0x4f: {  	_ =	shalt  }
0x50: {  	_ =	shalt  }
0x51: {  	_ =	shalt  }
0x52: {  	_ =	shalt  }
0x53: {  	_ =	shalt  }
0x54: {  	_ =	shalt  }
0x55: {  	_ =	shalt  }
0x56: {  	_ =	shalt  }
0x57: {  	_ =	shalt  }
0x58: {  	_ =	shalt  }
0x59: {  	_ =	shalt  }
0x5a: {  	_ =	shalt  }
0x5b: {  	_ =	shalt  }
0x5c: {  	_ =	shalt  }
0x5d: {  	_ =	shalt  }
0x5e: {  	_ =	shalt  }
0x5f: {  	_ =	shalt  }
0x60: {  	_ =	shalt  }
0x61: {  	_ =	shalt  }
0x62: {  	_ =	shalt  }
0x63: {  	_ =	shalt  }
0x64: {  	_ =	shalt  }
0x65: {  	_ =	shalt  }
0x66: {  	_ =	shalt  }
0x67: {  	_ =	shalt  }
0x68: {  	_ =	shalt  }
0x69: {  	_ =	shalt  }
0x6a: {  	_ =	shalt  }
0x6b: {  	_ =	shalt  }
0x6c: {  	_ =	shalt  }
0x6d: {  	_ =	shalt  }
0x6e: {  	_ =	shalt  }
0x6f: {  	_ =	shalt  }
0x70: {  	_ =	shalt  }
0x71: {  	_ =	shalt  }
0x72: {  	_ =	shalt  }
0x73: {  	_ =	shalt  }
0x74: {  	_ =	shalt  }
0x75: {  	_ =	shalt  }
0x76: {  	_ =	shalt  }
0x77: {  	_ =	shalt  }
0x78: {  	_ =	shalt  }
0x79: {  	_ =	shalt  }
0x7a: {  	_ =	shalt  }
0x7b: {  	_ =	shalt  }
0x7c: {  	_ =	shalt  }
0x7d: {  	_ =	shalt  }
0x7e: {  	_ =	shalt  }
0x7f: {  	_ =	shalt  }
0x80: {  	_ =	shalt  }
0x81: {  	_ =	shalt  }
0x82: {  	_ =	shalt  }
0x83: {  	_ =	shalt  }
0x84: {  	_ =	shalt  }
0x85: {  	_ =	shalt  }
0x86: {  	_ =	shalt  }
0x87: {  	_ =	shalt  }
.Lfunc_end0:
.L_simem_size_0:
called_computation.1_lowered:
.L_overlay_start_0:
0x88: {  	s2 =	sld [smem:$0x3FD9]  }
0x89: {  	s3 =	sld [smem:$0x3FFE];
	_ =	sdelay $0x1  }
0x8a: {  	s1 =	srdreg.scid  }
0x8b: {  	s0 =	sand.u32 $0x1, s1  }
0x8c: {  	s17 =	sshll.u32 s0, $0xA;
	s2 =	sadd.s32 s3, s2  }
0x8d: {  	s2 =	sadd.s32 s2, s17  }
0x8e: {  	[smem:$0x3FC6] =	sst s2  }
0x8f: {  	_ = 	snop  }
0x90: {  	s2 =	sld [smem:$0x3FD0];
	(tm) =	ssettm $0x1  }
0x91: {  	s18 =	sld [smem:$0x3FFB];
	_ =	sdelay $0x3  }
0x92: {  	_ =	strace s18  }
0x93: {  	s3 =	sld [smem:$0x3FFC];
	_ =	sdelay $0x3  }
0x94: {  	_ =	strace s3  }
0x95: {  	s3 =	sld [smem:$0x3FFD];
	_ =	sdelay $0x3  }
0x96: {  	_ =	strace s3  }
0x97: {  	_ =	strace $0x8FFFFFFF  }
0x98: {  	s19 =	sld [smem:$0x3FDB];
	_ =	sdelay $0x1  }
0x99: {  	s4 =	simm.s32 $_scs_section_size  }
0x9a: {  	s5 =	simm.s32 $_size__tile_overlayer_lowered;
	s6 =	simm.s32 $_tile_overlayer_lowered  }
0x9b: {  	s22 =	simm.s32 $0x1BFF;
	s21 =	sshll.u32 s6, $0x1;
	s3 =	sadd.s32 s4, s19  }
0x9c: {  	s7 =	simm.s32 $0x0;
	s20 =	sshll.u32 s5, $0x1;
	s5 =	sadd.s32 s21, s3  }
0x9d: {  	[timem:s7], [sflag:s22] =	dma.local [hbm:s5], s20  }
0x9e: {  	_ =	swait.ge [sflag:s22], s20  }
0x9f: {  	s4 =	ssub.s32 $0x0, s20;
	[sflag:s22] =	ssyncset.done $0x0  }
0xa0: {  	[sflag:s22] =	ssyncadd.s32 s4;
	_ =	sdelay $0x1  }
0xa1: {  	s23 =	simm.s32 $0x1B8B  }
0xa2: {  	_ =	swait.ge [sflag:s23], $0x1  }
0xa3: {  	[sflag:s23] =	ssyncset.done $0x0  }
0xa4: {  	s25 =	simm.s32 $0x1B8E;
	s24 =	sld [smem:$0x3FFE];
	[sflag:s23] =	ssyncadd.s32 $0xFFFFFFFF  }
0xa5: {  	s26 =	simm.s32 $execute0_lowered;
	[smem:$0x3FD2] =	sst s25  }
0xa6: {  	s5 =	sshll.u32 s26, $0x1;
	_ =	strace $0x80000046;
	[dreg:$0x1] =	wrdreg $0xFFFFFFFF  }
0xa7: {  	s28 =	simm.s32 $_size_execute0_lowered;
	s3 =	sadd.s32 s3, s5;
	[dreg:$0x0] =	wrdreg $0x0  }
0xa8: {  	s5 =	sshll.u32 s28, $0x1;
	[dreg:$0x2] =	wrdreg s3  }
0xa9: {  	[dreg:$0x3] =	wrdreg s5  }
0xaa: {  	[dreg:$0x4] =	wrdreg $0xC0  }
0xab: {  	_ =	task [dreg:s7], $0x5FFFF  }
0xac: {  	[dreg:$0x1] =	wrdreg $0xFFFFFFFF  }
0xad: {  	[dreg:$0x0] =	wrdreg $0x60  }
0xae: {  	[dreg:$0x2] =	wrdreg s24  }
0xaf: {  	[dreg:$0x3] =	wrdreg s2  }
0xb0: {  	[dreg:$0x4] =	wrdreg $0x9  }
0xb1: {  	_ =	task.clear_ibuf [dreg:s7], $0x5FFFF;
	_ =	strace $0x90000046  }
0xb2: {  	s29 =	simm.s32 $0x9;
	_ =	strace $0x80000048  }
0xb3: {  	_ =	swait.ge [sflag:s29], $0x1  }
0xb4: {  	[sflag:s29] =	ssyncadd.s32 $0xFFFFFFFF  }
0xb5: {  	_ =	strace $0x90000048  }
0xb6: {  	_ =	sfence  }
0xb7: {  	s30 =	sld [smem:$0x0];
	_ =	sdelay $0x2  }
0xb8: {  	s31 =	sshll.u32 s1, $0xD;
	s1 =	sshrl.u32 s1, $0x2  }
0xb9: {  	s3 =	sand.u32 $0x4000, s31;
	s1 =	sadd.s32 s1, s30  }
0xba: {  	s0 =	sor.u32 s3, s0;
	s1 =	sshll.u32 s1, $0x11  }
0xbb: {  	s0 =	sor.u32 s1, s0  }
0xbc: {  	s0 =	sadd.s32 $0x8F2B, s0  }
0xbd: {  	[sflag:s0] =	ssyncadd.remote.s32 $0x1  }
0xbe: {  	_ =	sfence.sel $0xFFFF  }
0xbf: {  	[dreg:$0x0] =	wrdreg $0xFFFFFFFF;
	(pc) =	sbr.abs _section_cstart, $3  }
0xc0: {  	[dreg:$0x1] =	wrdreg $0xFFFFFFFF  }
0xc1: {  	_ =	task.clear_ibuf [dreg:s7], $0x2FFFF;
	_ =	strace $0x9FFFFFFF  }
0xc2: {  	(tm) =	ssettm $0x7FFFFFFF  }
0xc3: {  	_ =	shalt  }
tec
execute0_lowered:
.L_overlay_start_1:
0x0: {  	(tag) =	ssettag $0x1  }
0x1: {  	s0 =	srdreg.scid;
	s2 =	stileid.u32  }
0x2: {  	s1 =	rddreg [dreg:$0x0];
	s13 =	simm.s32 $0x80;
	s22 =	simm.s32 $0x1  }
0x3: {  	s23 =	simm.s32 $0x10400;
	s24 =	simm.s32 $0x2;
	s28 =	simm.s32 $0x14400  }
0x4: {  	s29 =	simm.s32 $0x4;
	s30 =	simm.s32 $0x16400;
	s31 =	simm.s32 $0x5  }
0x5: {  	s14 =	simm.s32 $0x7;
	s15 =	simm.s32 $0x8;
	s16 =	simm.s32 $0x9  }
0x6: {  	s17 =	simm.s32 $0xA;
	s0 =	sand.u32 $0x1, s0;
	s3 =	sshll.u32 s2, $0x1  }
0x7: {  	s18 =	simm.s32 $0x0;
	s4 =	sor.u32 s0, s3;
	s3 =	simm.s32 $0x0  }
0x8: {  	s0 =	ssub.s32 $0x2, s0;
	s4 =	smul.u32 $0x6400, s4;
	[smem:$0x7FF] =	sst s3  }
0x9: {  	s2 =	rddreg [dreg:$0x1];
	s25 =	sshrl.u32 s0, $0x1;
	_ =	strace $0x80000047  }
0xa: {  	s0 =	ssub.s32 s0, s25;
	s25 =	simm.s32 $0x12400;
	s5 =	sshrl.u32 s4, $0x3  }
0xb: {  	s7 =	sor.u32 $0x80, s4;
	s8 =	sor.u32 $0x100, s4;
	s9 =	sor.u32 $0x180, s4  }
0xc: {  	s10 =	sor.u32 $0x200, s4;
	s0 =	smax.u32 s0, $0x1;
	s6 =	sadd.s32 s5, s1  }
0xd: {  	s5 =	sadd.s32 $0xF42E00, s1;
	[dreg:$0x4] =	wrdreg s0;
	s26 =	sadd.s32 $0xA00, s6  }
0xe: {  	s1 =	simm.s32 $0x18400;
	[dreg:$0x3] =	wrdreg s26;
	s26 =	simm.s32 $0x3  }
.LBB2_1:
0xf: {  	s0 =	rddreg [dreg:$0x3];
	s20 =	simm.s32 $0xB  }
0x10: {  	[tilespmem:s3], [sflag:$0xB] =	stream.linear.gather [hbm4b:s0+s3], $0x6400, $0x38;
	[tilespmem:$0x1A400] =	vst v63  }
0x11: {  	_ =	swait.ge [sflag:s20], $0x6400  }
0x12: {  	[sflag:s20] =	ssyncset.done $0x0  }
0x13: {  	s21 =	simm.s32 $0x6400;
	[sflag:s20] =	ssyncadd.s32 $0xFFFF9C00  }
0x14: {  	[tilespmem:s21], [sflag:$0x1] =	stream.indirect.gather [hbm4b:s5+s13], $0x40, s3, s13, $0xb8;
	[tilespmem:$0x1A400] =	vst v63  }
0x15: {  	s6 =	simm.s32 $0x8400  }
0x16: {  	[tilespmem:s6], [sflag:$0x2] =	stream.indirect.gather [hbm4b:s5+s13], $0x40, s13, s13, $0xb8;
	[tilespmem:$0x1A400] =	vst v63  }
0x17: {  	s11 =	simm.s32 $0x100;
	s6 =	simm.s32 $0xA400  }
0x18: {  	[tilespmem:s6], [sflag:$0x3] =	stream.indirect.gather [hbm4b:s5+s13], $0x40, s11, s13, $0xb8;
	[tilespmem:$0x1A400] =	vst v63  }
0x19: {  	s12 =	simm.s32 $0x180;
	s19 =	simm.s32 $0xC400  }
0x1a: {  	[tilespmem:s19], [sflag:$0x4] =	stream.indirect.gather [hbm4b:s5+s13], $0x40, s12, s13, $0xb8;
	[tilespmem:$0x1A400] =	vst v63  }
0x1b: {  	s20 =	simm.s32 $0x200;
	s21 =	simm.s32 $0xE400;
	s19 =	simm.s32 $0x0  }
0x1c: {  	[tilespmem:s21], [sflag:$0x5] =	stream.indirect.gather [hbm4b:s5+s13], $0x40, s20, s13, $0xb8;
	[tilespmem:$0x1A400] =	vst v63  }
.LBB2_2:
0x1d: {  	p1 =	seq.s32 s19, $0x0  }
0x1e: {  	s6 =	simm.s32 @!p1 $0x6  }
0x1f: {  	_ =	swait.ge @!p1 [sflag:s6], $0x2000  }
0x20: {  	[sflag:s6] =	ssyncset.done @!p1 $0x0  }
0x21: {  	[sflag:s6] =	ssyncadd.s32 @!p1 $0xFFFFE000  }
0x22: {  	_ =	swait.ge [sflag:s22], $0x2000  }
0x23: {  	[sflag:s22] =	ssyncset.done $0x0  }
0x24: {  	s12 =	simm.s32 $0x6500;
	[sflag:s22] =	ssyncadd.s32 $0xFFFFE000  }
0x25: {  	v0 =	vld [tilespmem:s12+$0xC0]  }
0x26: {  	v1 =	vld [tilespmem:s12+$0xFFFFFF40]  }
0x27: {  	v2 =	vld [tilespmem:s12+$0xFFFFFF80]  }
0x28: {  	v3 =	vld [tilespmem:s12+$0xFFFFFFC0]  }
0x29: {  	v4 =	vld [tilespmem:s12+$0x0]  }
0x2a: {  	v5 =	vld [tilespmem:s12+$0x40];
	v0 =	vmul.f32 $8.000000000e+00, v0  }
0x2b: {  	s6 =	simm.s32 $0x10500;
	v6 =	vld [tilespmem:s12+$0x80];
	v1 =	vmul.f32 $8.000000000e+00, v1  }
0x2c: {  	v7 =	vld [tilespmem:s12+$0xFFFFFF00];
	v2 =	vmul.f32 $8.000000000e+00, v2;
	[tilespmem:s6+$0xC0] =	vst v0  }
0x2d: {  	[tilespmem:s6+$0xFFFFFF40] =	vst v1;
	v0 =	vmul.f32 $8.000000000e+00, v3;
	v1 =	vld [tilespmem:s12+$0xD0]  }
0x2e: {  	[tilespmem:s6+$0xFFFFFF80] =	vst v2;
	v2 =	vmul.f32 $8.000000000e+00, v4;
	v3 =	vld [tilespmem:s12+$0xFFFFFF50]  }
0x2f: {  	v4 =	vld [tilespmem:s12+$0xFFFFFF90];
	[tilespmem:s6+$0xFFFFFFC0] =	vst v0;
	v0 =	vmul.f32 $8.000000000e+00, v5  }
0x30: {  	[tilespmem:s6+$0x0] =	vst v2;
	v2 =	vmul.f32 $8.000000000e+00, v6;
	v5 =	vld [tilespmem:s12+$0xFFFFFFD0]  }
0x31: {  	v6 =	vmul.f32 $8.000000000e+00, v7;
	v7 =	vld [tilespmem:s12+$0x10];
	[tilespmem:s6+$0x40] =	vst v0  }
0x32: {  	[tilespmem:s6+$0x80] =	vst v2;
	v0 =	vld [tilespmem:s12+$0x50];
	v1 =	vmul.f32 $8.000000000e+00, v1  }
0x33: {  	[tilespmem:s6+$0xFFFFFF00] =	vst v6;
	v2 =	vmul.f32 $8.000000000e+00, v3;
	v3 =	vld [tilespmem:s12+$0x90]  }
0x34: {  	v6 =	vld [tilespmem:s12+$0xFFFFFF10];
	v4 =	vmul.f32 $8.000000000e+00, v4;
	[tilespmem:s6+$0xD0] =	vst v1  }
0x35: {  	[tilespmem:s6+$0xFFFFFF50] =	vst v2;
	v1 =	vmul.f32 $8.000000000e+00, v5;
	v2 =	vld [tilespmem:s12+$0xE0]  }
0x36: {  	[tilespmem:s6+$0xFFFFFF90] =	vst v4;
	v4 =	vmul.f32 $8.000000000e+00, v7;
	v5 =	vld [tilespmem:s12+$0xFFFFFF60]  }
0x37: {  	v7 =	vld [tilespmem:s12+$0xFFFFFFA0];
	[tilespmem:s6+$0xFFFFFFD0] =	vst v1;
	v0 =	vmul.f32 $8.000000000e+00, v0  }
0x38: {  	[tilespmem:s6+$0x10] =	vst v4;
	v1 =	vld [tilespmem:s12+$0xFFFFFFE0];
	v3 =	vmul.f32 $8.000000000e+00, v3  }
0x39: {  	v4 =	vmul.f32 $8.000000000e+00, v6;
	v6 =	vld [tilespmem:s12+$0x20];
	[tilespmem:s6+$0x50] =	vst v0  }
0x3a: {  	v0 =	vld [tilespmem:s12+$0x60];
	[tilespmem:s6+$0x90] =	vst v3;
	v2 =	vmul.f32 $8.000000000e+00, v2  }
0x3b: {  	[tilespmem:s6+$0xFFFFFF10] =	vst v4;
	v3 =	vmul.f32 $8.000000000e+00, v5;
	v4 =	vld [tilespmem:s12+$0xA0]  }
0x3c: {  	v5 =	vld [tilespmem:s12+$0xFFFFFF20];
	v7 =	vmul.f32 $8.000000000e+00, v7;
	[tilespmem:s6+$0xE0] =	vst v2  }
0x3d: {  	[tilespmem:s6+$0xFFFFFF60] =	vst v3;
	v1 =	vmul.f32 $8.000000000e+00, v1;
	v3 =	vld [tilespmem:s12+$0xF0]  }
0x3e: {  	[tilespmem:s6+$0xFFFFFFA0] =	vst v7;
	v2 =	vmul.f32 $8.000000000e+00, v6;
	v8 =	vld [tilespmem:s12+$0xFFFFFF70]  }
0x3f: {  	v7 =	vld [tilespmem:s12+$0xFFFFFFB0];
	[tilespmem:s6+$0xFFFFFFE0] =	vst v1;
	v1 =	vmul.f32 $8.000000000e+00, v0  }
0x40: {  	[tilespmem:s6+$0x20] =	vst v2;
	v0 =	vld [tilespmem:s12+$0xFFFFFFF0];
	v4 =	vmul.f32 $8.000000000e+00, v4  }
0x41: {  	v5 =	vmul.f32 $8.000000000e+00, v5;
	v2 =	vld [tilespmem:s12+$0x30];
	[tilespmem:s6+$0x60] =	vst v1  }
0x42: {  	v1 =	vld [tilespmem:s12+$0x70];
	[tilespmem:s6+$0xA0] =	vst v4;
	v9 =	vmul.f32 $8.000000000e+00, v3  }
0x43: {  	[tilespmem:s6+$0xFFFFFF20] =	vst v5;
	v3 =	vld [tilespmem:s12+$0xB0];
	v6 =	vmul.f32 $8.000000000e+00, v8  }
0x44: {  	s11 =	simm.s32 $0x0;
	v4 =	vld [tilespmem:s12+$0xFFFFFF30];
	v5 =	vmul.f32 $8.000000000e+00, v7;
	s12 =	simm.s32 $0x6700;
	[tilespmem:s6+$0xF0] =	vst v9  }
.LBB2_3:
0x45: {  	v7 =	vld [tilespmem:s12+$0xC0];
	s11 =	sadd.s32 $0x8, s11;
	[tilespmem:s6+$0xFFFFFF70] =	vst v6;
	v0 =	vmul.f32 $8.000000000e+00, v0  }
0x46: {  	v6 =	vld [tilespmem:s12+$0xFFFFFF40];
	p0 =	slt.u32 s11, $0x78;
	[tilespmem:s6+$0xFFFFFFB0] =	vst v5;
	v2 =	vmul.f32 $8.000000000e+00, v2  }
0x47: {  	v5 =	vld [tilespmem:s12+$0xFFFFFF80];
	[tilespmem:s6+$0xFFFFFFF0] =	vst v0;
	v0 =	vmul.f32 $8.000000000e+00, v1  }
0x48: {  	v1 =	vld [tilespmem:s12+$0xFFFFFFC0];
	[tilespmem:s6+$0x30] =	vst v2;
	v2 =	vmul.f32 $8.000000000e+00, v3  }
0x49: {  	v3 =	vld [tilespmem:s12+$0x0];
	v4 =	vmul.f32 $8.000000000e+00, v4;
	[tilespmem:s6+$0x70] =	vst v0  }
0x4a: {  	v0 =	vld [tilespmem:s12+$0x40];
	v7 =	vmul.f32 $8.000000000e+00, v7;
	[tilespmem:s6+$0xB0] =	vst v2  }
0x4b: {  	v2 =	vmul.f32 $8.000000000e+00, v6;
	v6 =	vld [tilespmem:s12+$0x80];
	[tilespmem:s6+$0xFFFFFF30] =	vst v4;
	s6 =	sadd.s32 $0x200, s6  }
0x4c: {  	v4 =	vld [tilespmem:s12+$0xFFFFFF00];
	v5 =	vmul.f32 $8.000000000e+00, v5;
	[tilespmem:s6+$0xC0] =	vst v7  }
0x4d: {  	[tilespmem:s6+$0xFFFFFF40] =	vst v2;
	v1 =	vmul.f32 $8.000000000e+00, v1;
	v2 =	vld [tilespmem:s12+$0xD0]  }
0x4e: {  	v7 =	vld [tilespmem:s12+$0xFFFFFF50];
	[tilespmem:s6+$0xFFFFFF80] =	vst v5;
	v3 =	vmul.f32 $8.000000000e+00, v3  }
0x4f: {  	v5 =	vld [tilespmem:s12+$0xFFFFFF90];
	[tilespmem:s6+$0xFFFFFFC0] =	vst v1;
	v0 =	vmul.f32 $8.000000000e+00, v0  }
0x50: {  	v1 =	vld [tilespmem:s12+$0xFFFFFFD0];
	[tilespmem:s6+$0x0] =	vst v3;
	v3 =	vmul.f32 $8.000000000e+00, v6  }
0x51: {  	v4 =	vmul.f32 $8.000000000e+00, v4;
	v6 =	vld [tilespmem:s12+$0x10];
	[tilespmem:s6+$0x40] =	vst v0  }
0x52: {  	v0 =	vld [tilespmem:s12+$0x50];
	[tilespmem:s6+$0x80] =	vst v3;
	v2 =	vmul.f32 $8.000000000e+00, v2  }
0x53: {  	[tilespmem:s6+$0xFFFFFF00] =	vst v4;
	v3 =	vmul.f32 $8.000000000e+00, v7;
	v4 =	vld [tilespmem:s12+$0x90]  }
0x54: {  	v7 =	vld [tilespmem:s12+$0xFFFFFF10];
	v5 =	vmul.f32 $8.000000000e+00, v5;
	[tilespmem:s6+$0xD0] =	vst v2  }
0x55: {  	[tilespmem:s6+$0xFFFFFF50] =	vst v3;
	v1 =	vmul.f32 $8.000000000e+00, v1;
	v2 =	vld [tilespmem:s12+$0xE0]  }
0x56: {  	v3 =	vld [tilespmem:s12+$0xFFFFFF60];
	[tilespmem:s6+$0xFFFFFF90] =	vst v5;
	v5 =	vmul.f32 $8.000000000e+00, v6  }
0x57: {  	v6 =	vld [tilespmem:s12+$0xFFFFFFA0];
	[tilespmem:s6+$0xFFFFFFD0] =	vst v1;
	v0 =	vmul.f32 $8.000000000e+00, v0  }
0x58: {  	v1 =	vld [tilespmem:s12+$0xFFFFFFE0];
	[tilespmem:s6+$0x10] =	vst v5;
	v4 =	vmul.f32 $8.000000000e+00, v4  }
0x59: {  	v5 =	vmul.f32 $8.000000000e+00, v7;
	v7 =	vld [tilespmem:s12+$0x20];
	[tilespmem:s6+$0x50] =	vst v0  }
0x5a: {  	v0 =	vld [tilespmem:s12+$0x60];
	[tilespmem:s6+$0x90] =	vst v4;
	v2 =	vmul.f32 $8.000000000e+00, v2  }
0x5b: {  	[tilespmem:s6+$0xFFFFFF10] =	vst v5;
	v3 =	vmul.f32 $8.000000000e+00, v3;
	v4 =	vld [tilespmem:s12+$0xA0]  }
0x5c: {  	v5 =	vld [tilespmem:s12+$0xFFFFFF20];
	v6 =	vmul.f32 $8.000000000e+00, v6;
	[tilespmem:s6+$0xE0] =	vst v2  }
0x5d: {  	[tilespmem:s6+$0xFFFFFF60] =	vst v3;
	v1 =	vmul.f32 $8.000000000e+00, v1;
	v3 =	vld [tilespmem:s12+$0xF0]  }
0x5e: {  	v8 =	vld [tilespmem:s12+$0xFFFFFF70];
	[tilespmem:s6+$0xFFFFFFA0] =	vst v6;
	v2 =	vmul.f32 $8.000000000e+00, v7  }
0x5f: {  	v7 =	vld [tilespmem:s12+$0xFFFFFFB0];
	[tilespmem:s6+$0xFFFFFFE0] =	vst v1;
	v1 =	vmul.f32 $8.000000000e+00, v0  }
.Ltmp0:
0x60: {  	v0 =	vld [tilespmem:s12+$0xFFFFFFF0];
	[tilespmem:s6+$0x20] =	vst v2;
	v4 =	vmul.f32 $8.000000000e+00, v4;
	(pc) =	sbr.rel @p0 .LBB2_3-.Ltmp0, $4  }
0x61: {  	v5 =	vmul.f32 $8.000000000e+00, v5;
	v2 =	vld [tilespmem:s12+$0x30];
	[tilespmem:s6+$0x60] =	vst v1  }
0x62: {  	v1 =	vld [tilespmem:s12+$0x70];
	[tilespmem:s6+$0xA0] =	vst v4;
	v9 =	vmul.f32 $8.000000000e+00, v3  }
0x63: {  	[tilespmem:s6+$0xFFFFFF20] =	vst v5;
	v6 =	vmul.f32 $8.000000000e+00, v8;
	v3 =	vld [tilespmem:s12+$0xB0]  }
0x64: {  	v4 =	vld [tilespmem:s12+$0xFFFFFF30];
	v5 =	vmul.f32 $8.000000000e+00, v7;
	[tilespmem:s6+$0xF0] =	vst v9;
	s12 =	sadd.s32 $0x200, s12  }
0x65: {  	[tilespmem:s6+$0xFFFFFF70] =	vst v6;
	v0 =	vmul.f32 $8.000000000e+00, v0  }
0x66: {  	[tilespmem:s6+$0xFFFFFFB0] =	vst v5;
	v2 =	vmul.f32 $8.000000000e+00, v2  }
0x67: {  	p0 =	seq.s32 s19, $0x27;
	[tilespmem:s6+$0xFFFFFFF0] =	vst v0;
	v0 =	vmul.f32 $8.000000000e+00, v1  }
0x68: {  	s11 =	smul.u32 @!p0 $0xA00, s19;
	[tilespmem:s6+$0x30] =	vst v2;
	v1 =	vmul.f32 $8.000000000e+00, v3  }
0x69: {  	v2 =	vmul.f32 $8.000000000e+00, v4;
	[tilespmem:s6+$0x70] =	vst v0  }
0x6a: {  	s21 =	smul.u32 $0x280, s19;
	s20 =	sshra.s32 @!p0 s11, $0x2;
	[tilespmem:s6+$0xB0] =	vst v1  }
0x6b: {  	s12 =	simm.s32 @!p0 $0x6400;
	s11 =	sadd.s32 @!p0 $0x280, s20;
	[tilespmem:s6+$0xFFFFFF30] =	vst v2;
	s6 =	simm.s32 @!p0 $0x80  }
0x6c: {  	[tilespmem:s12], [sflag:$0x1] =	stream.indirect.gather @!p0 [hbm4b:s5+s6], $0x40, s11, s6, $0xb8;
	[tilespmem:$0x1A400] =	vst v63  }
0x6d: {  	s12 =	sadd.s32 s4, s21  }
0x6e: {  	s6 =	sshll.u32 s12, $0x3  }
0x6f: {  	s6 =	sadd.s32 s2, s6  }
0x70: {  	[hbm4b:s6+s3] =	stream.linear.scatter [tilespmem:s23], [sflag:$0x6], $0x2000, $0x38;
	[tilespmem:$0x1A400] =	vst v63  }
0x71: {  	s6 =	simm.s32 @!p1 $0x7  }
0x72: {  	_ =	swait.ge @!p1 [sflag:s6], $0x2000  }
0x73: {  	[sflag:s6] =	ssyncset.done @!p1 $0x0  }
0x74: {  	[sflag:s6] =	ssyncadd.s32 @!p1 $0xFFFFE000  }
0x75: {  	_ =	swait.ge [sflag:s24], $0x2000  }
0x76: {  	[sflag:s24] =	ssyncset.done $0x0  }
0x77: {  	s0 =	simm.s32 $0x85F0;
	[sflag:s24] =	ssyncadd.s32 $0xFFFFE000  }
0x78: {  	v0 =	vld [tilespmem:s0+$0xFFFFFFD0]  }
0x79: {  	v1 =	vld [tilespmem:s0+$0xFFFFFE50]  }
0x7a: {  	v2 =	vld [tilespmem:s0+$0xFFFFFE90]  }
0x7b: {  	v3 =	vld [tilespmem:s0+$0xFFFFFED0]  }
0x7c: {  	v4 =	vld [tilespmem:s0+$0xFFFFFF10]  }
0x7d: {  	v5 =	vld [tilespmem:s0+$0xFFFFFF50];
	v0 =	vmul.f32 $8.000000000e+00, v0  }
0x7e: {  	s6 =	simm.s32 $0x125F0;
	v6 =	vld [tilespmem:s0+$0xFFFFFF90];
	v1 =	vmul.f32 $8.000000000e+00, v1  }
0x7f: {  	v7 =	vld [tilespmem:s0+$0xFFFFFE10];
	v2 =	vmul.f32 $8.000000000e+00, v2;
	[tilespmem:s6+$0xFFFFFFD0] =	vst v0  }
0x80: {  	[tilespmem:s6+$0xFFFFFE50] =	vst v1;
	v0 =	vmul.f32 $8.000000000e+00, v3;
	v1 =	vld [tilespmem:s0+$0xFFFFFFE0]  }
0x81: {  	[tilespmem:s6+$0xFFFFFE90] =	vst v2;
	v2 =	vmul.f32 $8.000000000e+00, v4;
	v3 =	vld [tilespmem:s0+$0xFFFFFE60]  }
0x82: {  	v4 =	vld [tilespmem:s0+$0xFFFFFEA0];
	[tilespmem:s6+$0xFFFFFED0] =	vst v0;
	v0 =	vmul.f32 $8.000000000e+00, v5  }
0x83: {  	[tilespmem:s6+$0xFFFFFF10] =	vst v2;
	v2 =	vmul.f32 $8.000000000e+00, v6;
	v5 =	vld [tilespmem:s0+$0xFFFFFEE0]  }
0x84: {  	v6 =	vmul.f32 $8.000000000e+00, v7;
	v7 =	vld [tilespmem:s0+$0xFFFFFF20];
	[tilespmem:s6+$0xFFFFFF50] =	vst v0  }
0x85: {  	[tilespmem:s6+$0xFFFFFF90] =	vst v2;
	v0 =	vld [tilespmem:s0+$0xFFFFFF60];
	v1 =	vmul.f32 $8.000000000e+00, v1  }
0x86: {  	[tilespmem:s6+$0xFFFFFE10] =	vst v6;
	v2 =	vmul.f32 $8.000000000e+00, v3;
	v3 =	vld [tilespmem:s0+$0xFFFFFFA0]  }
0x87: {  	v6 =	vld [tilespmem:s0+$0xFFFFFE20];
	v4 =	vmul.f32 $8.000000000e+00, v4;
	[tilespmem:s6+$0xFFFFFFE0] =	vst v1  }
0x88: {  	[tilespmem:s6+$0xFFFFFE60] =	vst v2;
	v1 =	vmul.f32 $8.000000000e+00, v5;
	v2 =	vld [tilespmem:s0+$0xFFFFFFF0]  }
0x89: {  	[tilespmem:s6+$0xFFFFFEA0] =	vst v4;
	v4 =	vmul.f32 $8.000000000e+00, v7;
	v5 =	vld [tilespmem:s0+$0xFFFFFE70]  }
0x8a: {  	v7 =	vld [tilespmem:s0+$0xFFFFFEB0];
	[tilespmem:s6+$0xFFFFFEE0] =	vst v1;
	v0 =	vmul.f32 $8.000000000e+00, v0  }
0x8b: {  	[tilespmem:s6+$0xFFFFFF20] =	vst v4;
	v1 =	vld [tilespmem:s0+$0xFFFFFEF0];
	v3 =	vmul.f32 $8.000000000e+00, v3  }
0x8c: {  	v4 =	vmul.f32 $8.000000000e+00, v6;
	v6 =	vld [tilespmem:s0+$0xFFFFFF30];
	[tilespmem:s6+$0xFFFFFF60] =	vst v0  }
0x8d: {  	v0 =	vld [tilespmem:s0+$0xFFFFFF70];
	[tilespmem:s6+$0xFFFFFFA0] =	vst v3;
	v2 =	vmul.f32 $8.000000000e+00, v2  }
0x8e: {  	[tilespmem:s6+$0xFFFFFE20] =	vst v4;
	v3 =	vmul.f32 $8.000000000e+00, v5;
	v4 =	vld [tilespmem:s0+$0xFFFFFFB0]  }
0x8f: {  	v5 =	vld [tilespmem:s0+$0xFFFFFE30];
	v7 =	vmul.f32 $8.000000000e+00, v7;
	[tilespmem:s6+$0xFFFFFFF0] =	vst v2  }
0x90: {  	[tilespmem:s6+$0xFFFFFE70] =	vst v3;
	v1 =	vmul.f32 $8.000000000e+00, v1;
	v3 =	vld [tilespmem:s0+$0x0]  }
0x91: {  	[tilespmem:s6+$0xFFFFFEB0] =	vst v7;
	v2 =	vmul.f32 $8.000000000e+00, v6;
	v8 =	vld [tilespmem:s0+$0xFFFFFE80]  }
0x92: {  	v7 =	vld [tilespmem:s0+$0xFFFFFEC0];
	[tilespmem:s6+$0xFFFFFEF0] =	vst v1;
	v1 =	vmul.f32 $8.000000000e+00, v0  }
0x93: {  	[tilespmem:s6+$0xFFFFFF30] =	vst v2;
	v0 =	vld [tilespmem:s0+$0xFFFFFF00];
	v4 =	vmul.f32 $8.000000000e+00, v4  }
0x94: {  	v5 =	vmul.f32 $8.000000000e+00, v5;
	v2 =	vld [tilespmem:s0+$0xFFFFFF40];
	[tilespmem:s6+$0xFFFFFF70] =	vst v1  }
0x95: {  	v1 =	vld [tilespmem:s0+$0xFFFFFF80];
	[tilespmem:s6+$0xFFFFFFB0] =	vst v4;
	v9 =	vmul.f32 $8.000000000e+00, v3  }
0x96: {  	[tilespmem:s6+$0xFFFFFE30] =	vst v5;
	v3 =	vld [tilespmem:s0+$0xFFFFFFC0];
	v6 =	vmul.f32 $8.000000000e+00, v8  }
0x97: {  	s11 =	simm.s32 $0x0;
	s12 =	simm.s32 $0x87F0;
	v4 =	vld [tilespmem:s0+$0xFFFFFE40];
	v5 =	vmul.f32 $8.000000000e+00, v7;
	[tilespmem:s6+$0x0] =	vst v9  }
.LBB2_5:
0x98: {  	v7 =	vld [tilespmem:s12+$0xFFFFFFD0];
	s11 =	sadd.s32 $0x8, s11;
	[tilespmem:s6+$0xFFFFFE80] =	vst v6;
	v0 =	vmul.f32 $8.000000000e+00, v0  }
0x99: {  	v6 =	vld [tilespmem:s12+$0xFFFFFE50];
	p2 =	slt.u32 s11, $0x78;
	[tilespmem:s6+$0xFFFFFEC0] =	vst v5;
	v2 =	vmul.f32 $8.000000000e+00, v2  }
0x9a: {  	v5 =	vld [tilespmem:s12+$0xFFFFFE90];
	[tilespmem:s6+$0xFFFFFF00] =	vst v0;
	v0 =	vmul.f32 $8.000000000e+00, v1  }
0x9b: {  	v1 =	vld [tilespmem:s12+$0xFFFFFED0];
	[tilespmem:s6+$0xFFFFFF40] =	vst v2;
	v2 =	vmul.f32 $8.000000000e+00, v3  }
0x9c: {  	v3 =	vld [tilespmem:s12+$0xFFFFFF10];
	v4 =	vmul.f32 $8.000000000e+00, v4;
	[tilespmem:s6+$0xFFFFFF80] =	vst v0  }
0x9d: {  	v0 =	vld [tilespmem:s12+$0xFFFFFF50];
	v7 =	vmul.f32 $8.000000000e+00, v7;
	[tilespmem:s6+$0xFFFFFFC0] =	vst v2  }
0x9e: {  	v2 =	vmul.f32 $8.000000000e+00, v6;
	v6 =	vld [tilespmem:s12+$0xFFFFFF90];
	[tilespmem:s6+$0xFFFFFE40] =	vst v4;
	s6 =	sadd.s32 $0x200, s6  }
0x9f: {  	v4 =	vld [tilespmem:s12+$0xFFFFFE10];
	v5 =	vmul.f32 $8.000000000e+00, v5;
	[tilespmem:s6+$0xFFFFFFD0] =	vst v7  }
0xa0: {  	[tilespmem:s6+$0xFFFFFE50] =	vst v2;
	v1 =	vmul.f32 $8.000000000e+00, v1;
	v2 =	vld [tilespmem:s12+$0xFFFFFFE0]  }
0xa1: {  	v7 =	vld [tilespmem:s12+$0xFFFFFE60];
	[tilespmem:s6+$0xFFFFFE90] =	vst v5;
	v3 =	vmul.f32 $8.000000000e+00, v3  }
0xa2: {  	v5 =	vld [tilespmem:s12+$0xFFFFFEA0];
	[tilespmem:s6+$0xFFFFFED0] =	vst v1;
	v0 =	vmul.f32 $8.000000000e+00, v0  }
0xa3: {  	v1 =	vld [tilespmem:s12+$0xFFFFFEE0];
	[tilespmem:s6+$0xFFFFFF10] =	vst v3;
	v3 =	vmul.f32 $8.000000000e+00, v6  }
0xa4: {  	v4 =	vmul.f32 $8.000000000e+00, v4;
	v6 =	vld [tilespmem:s12+$0xFFFFFF20];
	[tilespmem:s6+$0xFFFFFF50] =	vst v0  }
0xa5: {  	v0 =	vld [tilespmem:s12+$0xFFFFFF60];
	[tilespmem:s6+$0xFFFFFF90] =	vst v3;
	v2 =	vmul.f32 $8.000000000e+00, v2  }
0xa6: {  	[tilespmem:s6+$0xFFFFFE10] =	vst v4;
	v3 =	vmul.f32 $8.000000000e+00, v7;
	v4 =	vld [tilespmem:s12+$0xFFFFFFA0]  }
0xa7: {  	v7 =	vld [tilespmem:s12+$0xFFFFFE20];
	v5 =	vmul.f32 $8.000000000e+00, v5;
	[tilespmem:s6+$0xFFFFFFE0] =	vst v2  }
0xa8: {  	[tilespmem:s6+$0xFFFFFE60] =	vst v3;
	v1 =	vmul.f32 $8.000000000e+00, v1;
	v2 =	vld [tilespmem:s12+$0xFFFFFFF0]  }
0xa9: {  	v3 =	vld [tilespmem:s12+$0xFFFFFE70];
	[tilespmem:s6+$0xFFFFFEA0] =	vst v5;
	v5 =	vmul.f32 $8.000000000e+00, v6  }
0xaa: {  	v6 =	vld [tilespmem:s12+$0xFFFFFEB0];
	[tilespmem:s6+$0xFFFFFEE0] =	vst v1;
	v0 =	vmul.f32 $8.000000000e+00, v0  }
0xab: {  	v1 =	vld [tilespmem:s12+$0xFFFFFEF0];
	[tilespmem:s6+$0xFFFFFF20] =	vst v5;
	v4 =	vmul.f32 $8.000000000e+00, v4  }
0xac: {  	v5 =	vmul.f32 $8.000000000e+00, v7;
	v7 =	vld [tilespmem:s12+$0xFFFFFF30];
	[tilespmem:s6+$0xFFFFFF60] =	vst v0  }
0xad: {  	v0 =	vld [tilespmem:s12+$0xFFFFFF70];
	[tilespmem:s6+$0xFFFFFFA0] =	vst v4;
	v2 =	vmul.f32 $8.000000000e+00, v2  }
0xae: {  	[tilespmem:s6+$0xFFFFFE20] =	vst v5;
	v3 =	vmul.f32 $8.000000000e+00, v3;
	v4 =	vld [tilespmem:s12+$0xFFFFFFB0]  }
0xaf: {  	v5 =	vld [tilespmem:s12+$0xFFFFFE30];
	v6 =	vmul.f32 $8.000000000e+00, v6;
	[tilespmem:s6+$0xFFFFFFF0] =	vst v2  }
0xb0: {  	[tilespmem:s6+$0xFFFFFE70] =	vst v3;
	v1 =	vmul.f32 $8.000000000e+00, v1;
	v3 =	vld [tilespmem:s12+$0x0]  }
0xb1: {  	v8 =	vld [tilespmem:s12+$0xFFFFFE80];
	[tilespmem:s6+$0xFFFFFEB0] =	vst v6;
	v2 =	vmul.f32 $8.000000000e+00, v7  }
0xb2: {  	v7 =	vld [tilespmem:s12+$0xFFFFFEC0];
	[tilespmem:s6+$0xFFFFFEF0] =	vst v1;
	v1 =	vmul.f32 $8.000000000e+00, v0  }
.Ltmp1:
0xb3: {  	v0 =	vld [tilespmem:s12+$0xFFFFFF00];
	[tilespmem:s6+$0xFFFFFF30] =	vst v2;
	v4 =	vmul.f32 $8.000000000e+00, v4;
	(pc) =	sbr.rel @p2 .LBB2_5-.Ltmp1, $4  }
0xb4: {  	v5 =	vmul.f32 $8.000000000e+00, v5;
	v2 =	vld [tilespmem:s12+$0xFFFFFF40];
	[tilespmem:s6+$0xFFFFFF70] =	vst v1  }
0xb5: {  	v1 =	vld [tilespmem:s12+$0xFFFFFF80];
	[tilespmem:s6+$0xFFFFFFB0] =	vst v4;
	v9 =	vmul.f32 $8.000000000e+00, v3  }
0xb6: {  	[tilespmem:s6+$0xFFFFFE30] =	vst v5;
	v6 =	vmul.f32 $8.000000000e+00, v8;
	v3 =	vld [tilespmem:s12+$0xFFFFFFC0]  }
0xb7: {  	v4 =	vld [tilespmem:s12+$0xFFFFFE40];
	v5 =	vmul.f32 $8.000000000e+00, v7;
	[tilespmem:s6+$0x0] =	vst v9;
	s12 =	sadd.s32 $0x200, s12  }
0xb8: {  	[tilespmem:s6+$0xFFFFFE80] =	vst v6;
	v0 =	vmul.f32 $8.000000000e+00, v0  }
0xb9: {  	[tilespmem:s6+$0xFFFFFEC0] =	vst v5;
	v2 =	vmul.f32 $8.000000000e+00, v2  }
0xba: {  	[tilespmem:s6+$0xFFFFFF00] =	vst v0;
	v0 =	vmul.f32 $8.000000000e+00, v1  }
0xbb: {  	[tilespmem:s6+$0xFFFFFF40] =	vst v2;
	v1 =	vmul.f32 $8.000000000e+00, v3  }
0xbc: {  	v2 =	vmul.f32 $8.000000000e+00, v4;
	[tilespmem:s6+$0xFFFFFF80] =	vst v0  }
0xbd: {  	[tilespmem:s6+$0xFFFFFFC0] =	vst v1  }
0xbe: {  	s11 =	simm.s32 @!p0 $0x80;
	s12 =	simm.s32 @!p0 $0x8400;
	[tilespmem:s6+$0xFFFFFE40] =	vst v2;
	s6 =	sadd.s32 @!p0 $0x300, s20  }
0xbf: {  	[tilespmem:s12], [sflag:$0x2] =	stream.indirect.gather @!p0 [hbm4b:s5+s11], $0x40, s6, s11, $0xb8;
	[tilespmem:$0x1A400] =	vst v63  }
0xc0: {  	s12 =	sadd.s32 s21, s7  }
0xc1: {  	s6 =	sshll.u32 s12, $0x3  }
0xc2: {  	s6 =	sand.u32 $0x1FFFFC00, s6  }
0xc3: {  	s6 =	sadd.s32 s2, s6  }
0xc4: {  	[hbm4b:s6+s3] =	stream.linear.scatter [tilespmem:s25], [sflag:$0x7], $0x2000, $0x38;
	[tilespmem:$0x1A400] =	vst v63  }
0xc5: {  	s6 =	simm.s32 @!p1 $0x8  }
0xc6: {  	_ =	swait.ge @!p1 [sflag:s6], $0x2000  }
0xc7: {  	[sflag:s6] =	ssyncset.done @!p1 $0x0  }
0xc8: {  	[sflag:s6] =	ssyncadd.s32 @!p1 $0xFFFFE000  }
0xc9: {  	_ =	swait.ge [sflag:s26], $0x2000  }
0xca: {  	[sflag:s26] =	ssyncset.done $0x0  }
0xcb: {  	s6 =	simm.s32 $0x0;
	[sflag:s26] =	ssyncadd.s32 $0xFFFFE000  }
0xcc: {  	v0 =	vld [tilespmem:s6+$0xA5F0]  }
0xcd: {  	v1 =	vld [tilespmem:s6+$0xA400]  }
0xce: {  	v2 =	vld [tilespmem:s6+$0xA410]  }
0xcf: {  	v3 =	vld [tilespmem:s6+$0xA420]  }
0xd0: {  	v4 =	vld [tilespmem:s6+$0xA430]  }
0xd1: {  	v5 =	vld [tilespmem:s6+$0xA440];
	v0 =	vmul.f32 $8.000000000e+00, v0  }
0xd2: {  	v6 =	vld [tilespmem:s6+$0xA450];
	v1 =	vmul.f32 $8.000000000e+00, v1  }
0xd3: {  	v7 =	vld [tilespmem:s6+$0xA460];
	v2 =	vmul.f32 $8.000000000e+00, v2;
	[tilespmem:s6+$0x145F0] =	vst v0  }
0xd4: {  	[tilespmem:s6+$0x14400] =	vst v1;
	v0 =	vmul.f32 $8.000000000e+00, v3;
	v1 =	vld [tilespmem:s6+$0xA470]  }
0xd5: {  	[tilespmem:s6+$0x14410] =	vst v2;
	v2 =	vmul.f32 $8.000000000e+00, v4;
	v3 =	vld [tilespmem:s6+$0xA480]  }
0xd6: {  	v4 =	vld [tilespmem:s6+$0xA490];
	[tilespmem:s6+$0x14420] =	vst v0;
	v0 =	vmul.f32 $8.000000000e+00, v5  }
0xd7: {  	[tilespmem:s6+$0x14430] =	vst v2;
	v2 =	vmul.f32 $8.000000000e+00, v6;
	v5 =	vld [tilespmem:s6+$0xA4A0]  }
0xd8: {  	v6 =	vld [tilespmem:s6+$0xA4B0];
	[tilespmem:s6+$0x14440] =	vst v0;
	v0 =	vmul.f32 $8.000000000e+00, v7  }
0xd9: {  	[tilespmem:s6+$0x14450] =	vst v2;
	v2 =	vld [tilespmem:s6+$0xA4C0];
	v1 =	vmul.f32 $8.000000000e+00, v1  }
0xda: {  	[tilespmem:s6+$0x14460] =	vst v0;
	v0 =	vmul.f32 $8.000000000e+00, v3;
	v3 =	vld [tilespmem:s6+$0xA4D0]  }
0xdb: {  	[tilespmem:s6+$0x14470] =	vst v1;
	v1 =	vmul.f32 $8.000000000e+00, v4;
	v4 =	vld [tilespmem:s6+$0xA4E0]  }
0xdc: {  	[tilespmem:s6+$0x14480] =	vst v0;
	v0 =	vmul.f32 $8.000000000e+00, v5;
	v5 =	vld [tilespmem:s6+$0xA4F0]  }
0xdd: {  	[tilespmem:s6+$0x14490] =	vst v1;
	v1 =	vmul.f32 $8.000000000e+00, v6;
	v6 =	vld [tilespmem:s6+$0xA500]  }
0xde: {  	[tilespmem:s6+$0x144A0] =	vst v0;
	v0 =	vmul.f32 $8.000000000e+00, v2;
	v2 =	vld [tilespmem:s6+$0xA510]  }
0xdf: {  	[tilespmem:s6+$0x144B0] =	vst v1;
	v1 =	vmul.f32 $8.000000000e+00, v3;
	v3 =	vld [tilespmem:s6+$0xA520]  }
0xe0: {  	[tilespmem:s6+$0x144C0] =	vst v0;
	v0 =	vmul.f32 $8.000000000e+00, v4;
	v4 =	vld [tilespmem:s6+$0xA530]  }
0xe1: {  	[tilespmem:s6+$0x144D0] =	vst v1;
	v1 =	vmul.f32 $8.000000000e+00, v5;
	v5 =	vld [tilespmem:s6+$0xA540]  }
0xe2: {  	[tilespmem:s6+$0x144E0] =	vst v0;
	v0 =	vmul.f32 $8.000000000e+00, v6;
	v6 =	vld [tilespmem:s6+$0xA550]  }
0xe3: {  	[tilespmem:s6+$0x144F0] =	vst v1;
	v1 =	vmul.f32 $8.000000000e+00, v2;
	v2 =	vld [tilespmem:s6+$0xA560]  }
0xe4: {  	v7 =	vld [tilespmem:s6+$0xA570];
	[tilespmem:s6+$0x14500] =	vst v0;
	v0 =	vmul.f32 $8.000000000e+00, v3  }
0xe5: {  	[tilespmem:s6+$0x14510] =	vst v1;
	v1 =	vmul.f32 $8.000000000e+00, v4;
	v4 =	vld [tilespmem:s6+$0xA580]  }
0xe6: {  	v3 =	vld [tilespmem:s6+$0xA590];
	[tilespmem:s6+$0x14520] =	vst v0;
	v5 =	vmul.f32 $8.000000000e+00, v5  }
0xe7: {  	v0 =	vld [tilespmem:s6+$0xA5A0];
	[tilespmem:s6+$0x14530] =	vst v1;
	v6 =	vmul.f32 $8.000000000e+00, v6  }
0xe8: {  	v1 =	vld [tilespmem:s6+$0xA5B0];
	[tilespmem:s6+$0x14540] =	vst v5;
	v5 =	vmul.f32 $8.000000000e+00, v2  }
0xe9: {  	v2 =	vld [tilespmem:s6+$0xA5C0];
	[tilespmem:s6+$0x14550] =	vst v6;
	v6 =	vmul.f32 $8.000000000e+00, v7  }
0xea: {  	s11 =	simm.s32 $0x0;
	s12 =	simm.s32 $0x800;
	[tilespmem:s6+$0x14560] =	vst v5;
	v5 =	vmul.f32 $8.000000000e+00, v4;
	v4 =	vld [tilespmem:s6+$0xA5D0]  }
.LBB2_7:
0xeb: {  	s0 =	sshra.s32 s12, $0x2;
	s11 =	sadd.s32 $0x8, s11;
	[tilespmem:s6+$0x14570] =	vst v6;
	v3 =	vmul.f32 $8.000000000e+00, v3;
	v6 =	vld [tilespmem:s6+$0xA5E0]  }
0xec: {  	v7 =	vld [tilespmem:s0+$0xA5F0];
	p2 =	slt.u32 s11, $0x78;
	[tilespmem:s6+$0x14580] =	vst v5;
	v0 =	vmul.f32 $8.000000000e+00, v0  }
0xed: {  	v5 =	vld [tilespmem:s0+$0xA400];
	[tilespmem:s6+$0x14590] =	vst v3;
	v1 =	vmul.f32 $8.000000000e+00, v1  }
0xee: {  	v3 =	vld [tilespmem:s0+$0xA410];
	[tilespmem:s6+$0x145A0] =	vst v0;
	v0 =	vmul.f32 $8.000000000e+00, v2  }
0xef: {  	v2 =	vld [tilespmem:s0+$0xA420];
	[tilespmem:s6+$0x145B0] =	vst v1;
	v1 =	vmul.f32 $8.000000000e+00, v4  }
0xf0: {  	v4 =	vld [tilespmem:s0+$0xA430];
	[tilespmem:s6+$0x145C0] =	vst v0;
	v0 =	vmul.f32 $8.000000000e+00, v6  }
0xf1: {  	v6 =	vld [tilespmem:s0+$0xA440];
	v7 =	vmul.f32 $8.000000000e+00, v7;
	[tilespmem:s6+$0x145D0] =	vst v1  }
0xf2: {  	v1 =	vmul.f32 $8.000000000e+00, v5;
	v5 =	vld [tilespmem:s0+$0xA450];
	[tilespmem:s6+$0x145E0] =	vst v0;
	s6 =	smov.u32 s0  }
0xf3: {  	v0 =	vmul.f32 $8.000000000e+00, v3;
	v3 =	vld [tilespmem:s6+$0xA460];
	[tilespmem:s6+$0x145F0] =	vst v7  }
0xf4: {  	[tilespmem:s6+$0x14400] =	vst v1;
	v1 =	vmul.f32 $8.000000000e+00, v2;
	v2 =	vld [tilespmem:s6+$0xA470]  }
0xf5: {  	[tilespmem:s6+$0x14410] =	vst v0;
	v0 =	vmul.f32 $8.000000000e+00, v4;
	v4 =	vld [tilespmem:s6+$0xA480]  }
0xf6: {  	[tilespmem:s6+$0x14420] =	vst v1;
	v1 =	vmul.f32 $8.000000000e+00, v6;
	v6 =	vld [tilespmem:s6+$0xA490]  }
0xf7: {  	[tilespmem:s6+$0x14430] =	vst v0;
	v0 =	vmul.f32 $8.000000000e+00, v5;
	v5 =	vld [tilespmem:s6+$0xA4A0]  }
0xf8: {  	[tilespmem:s6+$0x14440] =	vst v1;
	v1 =	vmul.f32 $8.000000000e+00, v3;
	v3 =	vld [tilespmem:s6+$0xA4B0]  }
0xf9: {  	[tilespmem:s6+$0x14450] =	vst v0;
	v0 =	vmul.f32 $8.000000000e+00, v2;
	v2 =	vld [tilespmem:s6+$0xA4C0]  }
0xfa: {  	[tilespmem:s6+$0x14460] =	vst v1;
	v1 =	vmul.f32 $8.000000000e+00, v4;
	v4 =	vld [tilespmem:s6+$0xA4D0]  }
0xfb: {  	[tilespmem:s6+$0x14470] =	vst v0;
	v0 =	vmul.f32 $8.000000000e+00, v6;
	v6 =	vld [tilespmem:s6+$0xA4E0]  }
0xfc: {  	[tilespmem:s6+$0x14480] =	vst v1;
	v1 =	vmul.f32 $8.000000000e+00, v5;
	v5 =	vld [tilespmem:s6+$0xA4F0]  }
0xfd: {  	[tilespmem:s6+$0x14490] =	vst v0;
	v0 =	vmul.f32 $8.000000000e+00, v3;
	v3 =	vld [tilespmem:s6+$0xA500]  }
0xfe: {  	[tilespmem:s6+$0x144A0] =	vst v1;
	v1 =	vmul.f32 $8.000000000e+00, v2;
	v2 =	vld [tilespmem:s6+$0xA510]  }
0xff: {  	[tilespmem:s6+$0x144B0] =	vst v0;
	v0 =	vmul.f32 $8.000000000e+00, v4;
	v4 =	vld [tilespmem:s6+$0xA520]  }
0x100: {  	[tilespmem:s6+$0x144C0] =	vst v1;
	v1 =	vmul.f32 $8.000000000e+00, v6;
	v6 =	vld [tilespmem:s6+$0xA530]  }
0x101: {  	[tilespmem:s6+$0x144D0] =	vst v0;
	v0 =	vmul.f32 $8.000000000e+00, v5;
	v5 =	vld [tilespmem:s6+$0xA540]  }
0x102: {  	[tilespmem:s6+$0x144E0] =	vst v1;
	v1 =	vmul.f32 $8.000000000e+00, v3;
	v7 =	vld [tilespmem:s6+$0xA550]  }
0x103: {  	[tilespmem:s6+$0x144F0] =	vst v0;
	v0 =	vmul.f32 $8.000000000e+00, v2;
	v2 =	vld [tilespmem:s6+$0xA560]  }
0x104: {  	[tilespmem:s6+$0x14500] =	vst v1;
	v1 =	vmul.f32 $8.000000000e+00, v4;
	v4 =	vld [tilespmem:s6+$0xA570]  }
0x105: {  	[tilespmem:s6+$0x14510] =	vst v0;
	v0 =	vmul.f32 $8.000000000e+00, v6;
	v8 =	vld [tilespmem:s6+$0xA580]  }
.Ltmp2:
0x106: {  	[tilespmem:s6+$0x14520] =	vst v1;
	v1 =	vmul.f32 $8.000000000e+00, v5;
	v3 =	vld [tilespmem:s6+$0xA590];
	(pc) =	sbr.rel @p2 .LBB2_7-.Ltmp2, $4  }
0x107: {  	[tilespmem:s6+$0x14530] =	vst v0;
	v5 =	vmul.f32 $8.000000000e+00, v7;
	v0 =	vld [tilespmem:s6+$0xA5A0]  }
0x108: {  	[tilespmem:s6+$0x14540] =	vst v1;
	v7 =	vmul.f32 $8.000000000e+00, v2;
	v1 =	vld [tilespmem:s6+$0xA5B0]  }
0x109: {  	[tilespmem:s6+$0x14550] =	vst v5;
	v6 =	vmul.f32 $8.000000000e+00, v4;
	v2 =	vld [tilespmem:s6+$0xA5C0]  }
0x10a: {  	s12 =	sadd.s32 $0x800, s12;
	[tilespmem:s6+$0x14560] =	vst v7;
	v5 =	vmul.f32 $8.000000000e+00, v8;
	v4 =	vld [tilespmem:s6+$0xA5D0]  }
0x10b: {  	[tilespmem:s6+$0x14570] =	vst v6;
	v3 =	vmul.f32 $8.000000000e+00, v3;
	v6 =	vld [tilespmem:s6+$0xA5E0]  }
0x10c: {  	[tilespmem:s6+$0x14580] =	vst v5;
	v0 =	vmul.f32 $8.000000000e+00, v0  }
0x10d: {  	[tilespmem:s6+$0x14590] =	vst v3;
	v1 =	vmul.f32 $8.000000000e+00, v1  }
0x10e: {  	[tilespmem:s6+$0x145A0] =	vst v0;
	v0 =	vmul.f32 $8.000000000e+00, v2  }
0x10f: {  	[tilespmem:s6+$0x145B0] =	vst v1;
	v1 =	vmul.f32 $8.000000000e+00, v4  }
0x110: {  	[tilespmem:s6+$0x145C0] =	vst v0;
	v0 =	vmul.f32 $8.000000000e+00, v6  }
0x111: {  	s0 =	sadd.s32 @!p0 $0x380, s20;
	[tilespmem:s6+$0x145D0] =	vst v1  }
0x112: {  	s11 =	simm.s32 @!p0 $0xA400;
	s12 =	sadd.s32 s21, s8;
	[tilespmem:s6+$0x145E0] =	vst v0;
	s6 =	simm.s32 @!p0 $0x80  }
0x113: {  	[tilespmem:s11], [sflag:$0x3] =	stream.indirect.gather @!p0 [hbm4b:s5+s6], $0x40, s0, s6, $0xb8;
	[tilespmem:$0x1A400] =	vst v63  }
0x114: {  	s0 =	sshll.u32 s12, $0x3  }
0x115: {  	s0 =	sand.u32 $0x1FFFFC00, s0  }
0x116: {  	s0 =	sadd.s32 s2, s0  }
0x117: {  	[hbm4b:s0+s3] =	stream.linear.scatter [tilespmem:s28], [sflag:$0x8], $0x2000, $0x38;
	[tilespmem:$0x1A400] =	vst v63  }
0x118: {  	s0 =	simm.s32 @!p1 $0x9  }
0x119: {  	_ =	swait.ge @!p1 [sflag:s0], $0x2000  }
0x11a: {  	[sflag:s0] =	ssyncset.done @!p1 $0x0  }
0x11b: {  	[sflag:s0] =	ssyncadd.s32 @!p1 $0xFFFFE000  }
0x11c: {  	_ =	swait.ge [sflag:s29], $0x2000  }
0x11d: {  	[sflag:s29] =	ssyncset.done $0x0  }
0x11e: {  	s6 =	simm.s32 $0x0;
	[sflag:s29] =	ssyncadd.s32 $0xFFFFE000  }
0x11f: {  	v0 =	vld [tilespmem:s6+$0xC5F0]  }
0x120: {  	v1 =	vld [tilespmem:s6+$0xC400]  }
0x121: {  	v2 =	vld [tilespmem:s6+$0xC410]  }
0x122: {  	v3 =	vld [tilespmem:s6+$0xC420]  }
0x123: {  	v4 =	vld [tilespmem:s6+$0xC430]  }
0x124: {  	v5 =	vld [tilespmem:s6+$0xC440];
	v0 =	vmul.f32 $8.000000000e+00, v0  }
0x125: {  	v6 =	vld [tilespmem:s6+$0xC450];
	v1 =	vmul.f32 $8.000000000e+00, v1  }
0x126: {  	v7 =	vld [tilespmem:s6+$0xC460];
	v2 =	vmul.f32 $8.000000000e+00, v2;
	[tilespmem:s6+$0x165F0] =	vst v0  }
0x127: {  	[tilespmem:s6+$0x16400] =	vst v1;
	v0 =	vmul.f32 $8.000000000e+00, v3;
	v1 =	vld [tilespmem:s6+$0xC470]  }
0x128: {  	[tilespmem:s6+$0x16410] =	vst v2;
	v2 =	vmul.f32 $8.000000000e+00, v4;
	v3 =	vld [tilespmem:s6+$0xC480]  }
0x129: {  	v4 =	vld [tilespmem:s6+$0xC490];
	[tilespmem:s6+$0x16420] =	vst v0;
	v0 =	vmul.f32 $8.000000000e+00, v5  }
0x12a: {  	[tilespmem:s6+$0x16430] =	vst v2;
	v2 =	vmul.f32 $8.000000000e+00, v6;
	v5 =	vld [tilespmem:s6+$0xC4A0]  }
0x12b: {  	v6 =	vld [tilespmem:s6+$0xC4B0];
	[tilespmem:s6+$0x16440] =	vst v0;
	v0 =	vmul.f32 $8.000000000e+00, v7  }
0x12c: {  	[tilespmem:s6+$0x16450] =	vst v2;
	v2 =	vld [tilespmem:s6+$0xC4C0];
	v1 =	vmul.f32 $8.000000000e+00, v1  }
0x12d: {  	[tilespmem:s6+$0x16460] =	vst v0;
	v0 =	vmul.f32 $8.000000000e+00, v3;
	v3 =	vld [tilespmem:s6+$0xC4D0]  }
0x12e: {  	[tilespmem:s6+$0x16470] =	vst v1;
	v1 =	vmul.f32 $8.000000000e+00, v4;
	v4 =	vld [tilespmem:s6+$0xC4E0]  }
0x12f: {  	[tilespmem:s6+$0x16480] =	vst v0;
	v0 =	vmul.f32 $8.000000000e+00, v5;
	v5 =	vld [tilespmem:s6+$0xC4F0]  }
0x130: {  	[tilespmem:s6+$0x16490] =	vst v1;
	v1 =	vmul.f32 $8.000000000e+00, v6;
	v6 =	vld [tilespmem:s6+$0xC500]  }
0x131: {  	[tilespmem:s6+$0x164A0] =	vst v0;
	v0 =	vmul.f32 $8.000000000e+00, v2;
	v2 =	vld [tilespmem:s6+$0xC510]  }
0x132: {  	[tilespmem:s6+$0x164B0] =	vst v1;
	v1 =	vmul.f32 $8.000000000e+00, v3;
	v3 =	vld [tilespmem:s6+$0xC520]  }
0x133: {  	[tilespmem:s6+$0x164C0] =	vst v0;
	v0 =	vmul.f32 $8.000000000e+00, v4;
	v4 =	vld [tilespmem:s6+$0xC530]  }
0x134: {  	[tilespmem:s6+$0x164D0] =	vst v1;
	v1 =	vmul.f32 $8.000000000e+00, v5;
	v5 =	vld [tilespmem:s6+$0xC540]  }
0x135: {  	[tilespmem:s6+$0x164E0] =	vst v0;
	v0 =	vmul.f32 $8.000000000e+00, v6;
	v6 =	vld [tilespmem:s6+$0xC550]  }
0x136: {  	[tilespmem:s6+$0x164F0] =	vst v1;
	v1 =	vmul.f32 $8.000000000e+00, v2;
	v2 =	vld [tilespmem:s6+$0xC560]  }
0x137: {  	v7 =	vld [tilespmem:s6+$0xC570];
	[tilespmem:s6+$0x16500] =	vst v0;
	v0 =	vmul.f32 $8.000000000e+00, v3  }
0x138: {  	[tilespmem:s6+$0x16510] =	vst v1;
	v1 =	vmul.f32 $8.000000000e+00, v4;
	v4 =	vld [tilespmem:s6+$0xC580]  }
0x139: {  	v3 =	vld [tilespmem:s6+$0xC590];
	[tilespmem:s6+$0x16520] =	vst v0;
	v5 =	vmul.f32 $8.000000000e+00, v5  }
0x13a: {  	v0 =	vld [tilespmem:s6+$0xC5A0];
	[tilespmem:s6+$0x16530] =	vst v1;
	v6 =	vmul.f32 $8.000000000e+00, v6  }
0x13b: {  	v1 =	vld [tilespmem:s6+$0xC5B0];
	[tilespmem:s6+$0x16540] =	vst v5;
	v5 =	vmul.f32 $8.000000000e+00, v2  }
0x13c: {  	v2 =	vld [tilespmem:s6+$0xC5C0];
	[tilespmem:s6+$0x16550] =	vst v6;
	v6 =	vmul.f32 $8.000000000e+00, v7  }
0x13d: {  	s11 =	simm.s32 $0x0;
	s12 =	simm.s32 $0x800;
	[tilespmem:s6+$0x16560] =	vst v5;
	v5 =	vmul.f32 $8.000000000e+00, v4;
	v4 =	vld [tilespmem:s6+$0xC5D0]  }
.LBB2_9:
0x13e: {  	s0 =	sshra.s32 s12, $0x2;
	s11 =	sadd.s32 $0x8, s11;
	[tilespmem:s6+$0x16570] =	vst v6;
	v3 =	vmul.f32 $8.000000000e+00, v3;
	v6 =	vld [tilespmem:s6+$0xC5E0]  }
0x13f: {  	v7 =	vld [tilespmem:s0+$0xC5F0];
	p2 =	slt.u32 s11, $0x78;
	[tilespmem:s6+$0x16580] =	vst v5;
	v0 =	vmul.f32 $8.000000000e+00, v0  }
0x140: {  	v5 =	vld [tilespmem:s0+$0xC400];
	[tilespmem:s6+$0x16590] =	vst v3;
	v1 =	vmul.f32 $8.000000000e+00, v1  }
0x141: {  	v3 =	vld [tilespmem:s0+$0xC410];
	[tilespmem:s6+$0x165A0] =	vst v0;
	v0 =	vmul.f32 $8.000000000e+00, v2  }
0x142: {  	v2 =	vld [tilespmem:s0+$0xC420];
	[tilespmem:s6+$0x165B0] =	vst v1;
	v1 =	vmul.f32 $8.000000000e+00, v4  }
0x143: {  	v4 =	vld [tilespmem:s0+$0xC430];
	[tilespmem:s6+$0x165C0] =	vst v0;
	v0 =	vmul.f32 $8.000000000e+00, v6  }
0x144: {  	v6 =	vld [tilespmem:s0+$0xC440];
	v7 =	vmul.f32 $8.000000000e+00, v7;
	[tilespmem:s6+$0x165D0] =	vst v1  }
0x145: {  	v1 =	vmul.f32 $8.000000000e+00, v5;
	v5 =	vld [tilespmem:s0+$0xC450];
	[tilespmem:s6+$0x165E0] =	vst v0;
	s6 =	smov.u32 s0  }
0x146: {  	v0 =	vmul.f32 $8.000000000e+00, v3;
	v3 =	vld [tilespmem:s6+$0xC460];
	[tilespmem:s6+$0x165F0] =	vst v7  }
0x147: {  	[tilespmem:s6+$0x16400] =	vst v1;
	v1 =	vmul.f32 $8.000000000e+00, v2;
	v2 =	vld [tilespmem:s6+$0xC470]  }
0x148: {  	[tilespmem:s6+$0x16410] =	vst v0;
	v0 =	vmul.f32 $8.000000000e+00, v4;
	v4 =	vld [tilespmem:s6+$0xC480]  }
0x149: {  	[tilespmem:s6+$0x16420] =	vst v1;
	v1 =	vmul.f32 $8.000000000e+00, v6;
	v6 =	vld [tilespmem:s6+$0xC490]  }
0x14a: {  	[tilespmem:s6+$0x16430] =	vst v0;
	v0 =	vmul.f32 $8.000000000e+00, v5;
	v5 =	vld [tilespmem:s6+$0xC4A0]  }
0x14b: {  	[tilespmem:s6+$0x16440] =	vst v1;
	v1 =	vmul.f32 $8.000000000e+00, v3;
	v3 =	vld [tilespmem:s6+$0xC4B0]  }
0x14c: {  	[tilespmem:s6+$0x16450] =	vst v0;
	v0 =	vmul.f32 $8.000000000e+00, v2;
	v2 =	vld [tilespmem:s6+$0xC4C0]  }
0x14d: {  	[tilespmem:s6+$0x16460] =	vst v1;
	v1 =	vmul.f32 $8.000000000e+00, v4;
	v4 =	vld [tilespmem:s6+$0xC4D0]  }
0x14e: {  	[tilespmem:s6+$0x16470] =	vst v0;
	v0 =	vmul.f32 $8.000000000e+00, v6;
	v6 =	vld [tilespmem:s6+$0xC4E0]  }
0x14f: {  	[tilespmem:s6+$0x16480] =	vst v1;
	v1 =	vmul.f32 $8.000000000e+00, v5;
	v5 =	vld [tilespmem:s6+$0xC4F0]  }
0x150: {  	[tilespmem:s6+$0x16490] =	vst v0;
	v0 =	vmul.f32 $8.000000000e+00, v3;
	v3 =	vld [tilespmem:s6+$0xC500]  }
0x151: {  	[tilespmem:s6+$0x164A0] =	vst v1;
	v1 =	vmul.f32 $8.000000000e+00, v2;
	v2 =	vld [tilespmem:s6+$0xC510]  }
0x152: {  	[tilespmem:s6+$0x164B0] =	vst v0;
	v0 =	vmul.f32 $8.000000000e+00, v4;
	v4 =	vld [tilespmem:s6+$0xC520]  }
0x153: {  	[tilespmem:s6+$0x164C0] =	vst v1;
	v1 =	vmul.f32 $8.000000000e+00, v6;
	v6 =	vld [tilespmem:s6+$0xC530]  }
0x154: {  	[tilespmem:s6+$0x164D0] =	vst v0;
	v0 =	vmul.f32 $8.000000000e+00, v5;
	v5 =	vld [tilespmem:s6+$0xC540]  }
0x155: {  	[tilespmem:s6+$0x164E0] =	vst v1;
	v1 =	vmul.f32 $8.000000000e+00, v3;
	v7 =	vld [tilespmem:s6+$0xC550]  }
0x156: {  	[tilespmem:s6+$0x164F0] =	vst v0;
	v0 =	vmul.f32 $8.000000000e+00, v2;
	v2 =	vld [tilespmem:s6+$0xC560]  }
0x157: {  	[tilespmem:s6+$0x16500] =	vst v1;
	v1 =	vmul.f32 $8.000000000e+00, v4;
	v4 =	vld [tilespmem:s6+$0xC570]  }
0x158: {  	[tilespmem:s6+$0x16510] =	vst v0;
	v0 =	vmul.f32 $8.000000000e+00, v6;
	v8 =	vld [tilespmem:s6+$0xC580]  }
.Ltmp3:
0x159: {  	[tilespmem:s6+$0x16520] =	vst v1;
	v1 =	vmul.f32 $8.000000000e+00, v5;
	v3 =	vld [tilespmem:s6+$0xC590];
	(pc) =	sbr.rel @p2 .LBB2_9-.Ltmp3, $4  }
0x15a: {  	[tilespmem:s6+$0x16530] =	vst v0;
	v5 =	vmul.f32 $8.000000000e+00, v7;
	v0 =	vld [tilespmem:s6+$0xC5A0]  }
0x15b: {  	[tilespmem:s6+$0x16540] =	vst v1;
	v7 =	vmul.f32 $8.000000000e+00, v2;
	v1 =	vld [tilespmem:s6+$0xC5B0]  }
0x15c: {  	[tilespmem:s6+$0x16550] =	vst v5;
	v6 =	vmul.f32 $8.000000000e+00, v4;
	v2 =	vld [tilespmem:s6+$0xC5C0]  }
0x15d: {  	s12 =	sadd.s32 $0x800, s12;
	[tilespmem:s6+$0x16560] =	vst v7;
	v5 =	vmul.f32 $8.000000000e+00, v8;
	v4 =	vld [tilespmem:s6+$0xC5D0]  }
0x15e: {  	[tilespmem:s6+$0x16570] =	vst v6;
	v3 =	vmul.f32 $8.000000000e+00, v3;
	v6 =	vld [tilespmem:s6+$0xC5E0]  }
0x15f: {  	[tilespmem:s6+$0x16580] =	vst v5;
	v0 =	vmul.f32 $8.000000000e+00, v0  }
0x160: {  	[tilespmem:s6+$0x16590] =	vst v3;
	v1 =	vmul.f32 $8.000000000e+00, v1  }
0x161: {  	[tilespmem:s6+$0x165A0] =	vst v0;
	v0 =	vmul.f32 $8.000000000e+00, v2  }
0x162: {  	[tilespmem:s6+$0x165B0] =	vst v1;
	v1 =	vmul.f32 $8.000000000e+00, v4  }
0x163: {  	[tilespmem:s6+$0x165C0] =	vst v0;
	v0 =	vmul.f32 $8.000000000e+00, v6  }
0x164: {  	s0 =	sadd.s32 @!p0 $0x400, s20;
	[tilespmem:s6+$0x165D0] =	vst v1  }
0x165: {  	s11 =	simm.s32 @!p0 $0xC400;
	s12 =	sadd.s32 s21, s9;
	[tilespmem:s6+$0x165E0] =	vst v0;
	s6 =	simm.s32 @!p0 $0x80  }
0x166: {  	[tilespmem:s11], [sflag:$0x4] =	stream.indirect.gather @!p0 [hbm4b:s5+s6], $0x40, s0, s6, $0xb8;
	[tilespmem:$0x1A400] =	vst v63  }
0x167: {  	s0 =	sshll.u32 s12, $0x3  }
0x168: {  	s0 =	sand.u32 $0x1FFFFC00, s0  }
0x169: {  	s0 =	sadd.s32 s2, s0  }
0x16a: {  	[hbm4b:s0+s3] =	stream.linear.scatter [tilespmem:s30], [sflag:$0x9], $0x2000, $0x38;
	[tilespmem:$0x1A400] =	vst v63  }
0x16b: {  	s0 =	simm.s32 @!p1 $0xA  }
0x16c: {  	_ =	swait.ge @!p1 [sflag:s0], $0x2000  }
0x16d: {  	[sflag:s0] =	ssyncset.done @!p1 $0x0  }
0x16e: {  	[sflag:s0] =	ssyncadd.s32 @!p1 $0xFFFFE000  }
0x16f: {  	_ =	swait.ge [sflag:s31], $0x2000  }
0x170: {  	[sflag:s31] =	ssyncset.done $0x0  }
0x171: {  	s6 =	simm.s32 $0x0;
	[sflag:s31] =	ssyncadd.s32 $0xFFFFE000  }
0x172: {  	v0 =	vld [tilespmem:s6+$0xE5F0]  }
0x173: {  	v1 =	vld [tilespmem:s6+$0xE400]  }
0x174: {  	v2 =	vld [tilespmem:s6+$0xE410]  }
0x175: {  	v3 =	vld [tilespmem:s6+$0xE420]  }
0x176: {  	v4 =	vld [tilespmem:s6+$0xE430]  }
0x177: {  	v5 =	vld [tilespmem:s6+$0xE440];
	v0 =	vmul.f32 $8.000000000e+00, v0  }
0x178: {  	v6 =	vld [tilespmem:s6+$0xE450];
	v1 =	vmul.f32 $8.000000000e+00, v1  }
0x179: {  	v7 =	vld [tilespmem:s6+$0xE460];
	v2 =	vmul.f32 $8.000000000e+00, v2;
	[tilespmem:s6+$0x185F0] =	vst v0  }
0x17a: {  	[tilespmem:s6+$0x18400] =	vst v1;
	v0 =	vmul.f32 $8.000000000e+00, v3;
	v1 =	vld [tilespmem:s6+$0xE470]  }
0x17b: {  	[tilespmem:s6+$0x18410] =	vst v2;
	v2 =	vmul.f32 $8.000000000e+00, v4;
	v3 =	vld [tilespmem:s6+$0xE480]  }
0x17c: {  	v4 =	vld [tilespmem:s6+$0xE490];
	[tilespmem:s6+$0x18420] =	vst v0;
	v0 =	vmul.f32 $8.000000000e+00, v5  }
0x17d: {  	[tilespmem:s6+$0x18430] =	vst v2;
	v2 =	vmul.f32 $8.000000000e+00, v6;
	v5 =	vld [tilespmem:s6+$0xE4A0]  }
0x17e: {  	v6 =	vld [tilespmem:s6+$0xE4B0];
	[tilespmem:s6+$0x18440] =	vst v0;
	v0 =	vmul.f32 $8.000000000e+00, v7  }
0x17f: {  	[tilespmem:s6+$0x18450] =	vst v2;
	v2 =	vld [tilespmem:s6+$0xE4C0];
	v1 =	vmul.f32 $8.000000000e+00, v1  }
0x180: {  	[tilespmem:s6+$0x18460] =	vst v0;
	v0 =	vmul.f32 $8.000000000e+00, v3;
	v3 =	vld [tilespmem:s6+$0xE4D0]  }
0x181: {  	[tilespmem:s6+$0x18470] =	vst v1;
	v1 =	vmul.f32 $8.000000000e+00, v4;
	v4 =	vld [tilespmem:s6+$0xE4E0]  }
0x182: {  	[tilespmem:s6+$0x18480] =	vst v0;
	v0 =	vmul.f32 $8.000000000e+00, v5;
	v5 =	vld [tilespmem:s6+$0xE4F0]  }
0x183: {  	[tilespmem:s6+$0x18490] =	vst v1;
	v1 =	vmul.f32 $8.000000000e+00, v6;
	v6 =	vld [tilespmem:s6+$0xE500]  }
0x184: {  	[tilespmem:s6+$0x184A0] =	vst v0;
	v0 =	vmul.f32 $8.000000000e+00, v2;
	v2 =	vld [tilespmem:s6+$0xE510]  }
0x185: {  	[tilespmem:s6+$0x184B0] =	vst v1;
	v1 =	vmul.f32 $8.000000000e+00, v3;
	v3 =	vld [tilespmem:s6+$0xE520]  }
0x186: {  	[tilespmem:s6+$0x184C0] =	vst v0;
	v0 =	vmul.f32 $8.000000000e+00, v4;
	v4 =	vld [tilespmem:s6+$0xE530]  }
0x187: {  	[tilespmem:s6+$0x184D0] =	vst v1;
	v1 =	vmul.f32 $8.000000000e+00, v5;
	v5 =	vld [tilespmem:s6+$0xE540]  }
0x188: {  	[tilespmem:s6+$0x184E0] =	vst v0;
	v0 =	vmul.f32 $8.000000000e+00, v6;
	v6 =	vld [tilespmem:s6+$0xE550]  }
0x189: {  	[tilespmem:s6+$0x184F0] =	vst v1;
	v1 =	vmul.f32 $8.000000000e+00, v2;
	v2 =	vld [tilespmem:s6+$0xE560]  }
0x18a: {  	v7 =	vld [tilespmem:s6+$0xE570];
	[tilespmem:s6+$0x18500] =	vst v0;
	v0 =	vmul.f32 $8.000000000e+00, v3  }
0x18b: {  	[tilespmem:s6+$0x18510] =	vst v1;
	v1 =	vmul.f32 $8.000000000e+00, v4;
	v4 =	vld [tilespmem:s6+$0xE580]  }
0x18c: {  	v3 =	vld [tilespmem:s6+$0xE590];
	[tilespmem:s6+$0x18520] =	vst v0;
	v5 =	vmul.f32 $8.000000000e+00, v5  }
0x18d: {  	v0 =	vld [tilespmem:s6+$0xE5A0];
	[tilespmem:s6+$0x18530] =	vst v1;
	v6 =	vmul.f32 $8.000000000e+00, v6  }
0x18e: {  	v1 =	vld [tilespmem:s6+$0xE5B0];
	[tilespmem:s6+$0x18540] =	vst v5;
	v5 =	vmul.f32 $8.000000000e+00, v2  }
0x18f: {  	v2 =	vld [tilespmem:s6+$0xE5C0];
	[tilespmem:s6+$0x18550] =	vst v6;
	v6 =	vmul.f32 $8.000000000e+00, v7  }
0x190: {  	s11 =	simm.s32 $0x0;
	s12 =	simm.s32 $0x800;
	[tilespmem:s6+$0x18560] =	vst v5;
	v5 =	vmul.f32 $8.000000000e+00, v4;
	v4 =	vld [tilespmem:s6+$0xE5D0]  }
.LBB2_11:
0x191: {  	s0 =	sshra.s32 s12, $0x2;
	s11 =	sadd.s32 $0x8, s11;
	[tilespmem:s6+$0x18570] =	vst v6;
	v3 =	vmul.f32 $8.000000000e+00, v3;
	v6 =	vld [tilespmem:s6+$0xE5E0]  }
0x192: {  	v7 =	vld [tilespmem:s0+$0xE5F0];
	p1 =	slt.u32 s11, $0x78;
	[tilespmem:s6+$0x18580] =	vst v5;
	v0 =	vmul.f32 $8.000000000e+00, v0  }
0x193: {  	v5 =	vld [tilespmem:s0+$0xE400];
	[tilespmem:s6+$0x18590] =	vst v3;
	v1 =	vmul.f32 $8.000000000e+00, v1  }
0x194: {  	v3 =	vld [tilespmem:s0+$0xE410];
	[tilespmem:s6+$0x185A0] =	vst v0;
	v0 =	vmul.f32 $8.000000000e+00, v2  }
0x195: {  	v2 =	vld [tilespmem:s0+$0xE420];
	[tilespmem:s6+$0x185B0] =	vst v1;
	v1 =	vmul.f32 $8.000000000e+00, v4  }
0x196: {  	v4 =	vld [tilespmem:s0+$0xE430];
	[tilespmem:s6+$0x185C0] =	vst v0;
	v0 =	vmul.f32 $8.000000000e+00, v6  }
0x197: {  	v6 =	vld [tilespmem:s0+$0xE440];
	v7 =	vmul.f32 $8.000000000e+00, v7;
	[tilespmem:s6+$0x185D0] =	vst v1  }
0x198: {  	v1 =	vmul.f32 $8.000000000e+00, v5;
	v5 =	vld [tilespmem:s0+$0xE450];
	[tilespmem:s6+$0x185E0] =	vst v0;
	s6 =	smov.u32 s0  }
0x199: {  	v0 =	vmul.f32 $8.000000000e+00, v3;
	v3 =	vld [tilespmem:s6+$0xE460];
	[tilespmem:s6+$0x185F0] =	vst v7  }
0x19a: {  	[tilespmem:s6+$0x18400] =	vst v1;
	v1 =	vmul.f32 $8.000000000e+00, v2;
	v2 =	vld [tilespmem:s6+$0xE470]  }
0x19b: {  	[tilespmem:s6+$0x18410] =	vst v0;
	v0 =	vmul.f32 $8.000000000e+00, v4;
	v4 =	vld [tilespmem:s6+$0xE480]  }
0x19c: {  	[tilespmem:s6+$0x18420] =	vst v1;
	v1 =	vmul.f32 $8.000000000e+00, v6;
	v6 =	vld [tilespmem:s6+$0xE490]  }
0x19d: {  	[tilespmem:s6+$0x18430] =	vst v0;
	v0 =	vmul.f32 $8.000000000e+00, v5;
	v5 =	vld [tilespmem:s6+$0xE4A0]  }
0x19e: {  	[tilespmem:s6+$0x18440] =	vst v1;
	v1 =	vmul.f32 $8.000000000e+00, v3;
	v3 =	vld [tilespmem:s6+$0xE4B0]  }
0x19f: {  	[tilespmem:s6+$0x18450] =	vst v0;
	v0 =	vmul.f32 $8.000000000e+00, v2;
	v2 =	vld [tilespmem:s6+$0xE4C0]  }
0x1a0: {  	[tilespmem:s6+$0x18460] =	vst v1;
	v1 =	vmul.f32 $8.000000000e+00, v4;
	v4 =	vld [tilespmem:s6+$0xE4D0]  }
0x1a1: {  	[tilespmem:s6+$0x18470] =	vst v0;
	v0 =	vmul.f32 $8.000000000e+00, v6;
	v6 =	vld [tilespmem:s6+$0xE4E0]  }
0x1a2: {  	[tilespmem:s6+$0x18480] =	vst v1;
	v1 =	vmul.f32 $8.000000000e+00, v5;
	v5 =	vld [tilespmem:s6+$0xE4F0]  }
0x1a3: {  	[tilespmem:s6+$0x18490] =	vst v0;
	v0 =	vmul.f32 $8.000000000e+00, v3;
	v3 =	vld [tilespmem:s6+$0xE500]  }
0x1a4: {  	[tilespmem:s6+$0x184A0] =	vst v1;
	v1 =	vmul.f32 $8.000000000e+00, v2;
	v2 =	vld [tilespmem:s6+$0xE510]  }
0x1a5: {  	[tilespmem:s6+$0x184B0] =	vst v0;
	v0 =	vmul.f32 $8.000000000e+00, v4;
	v4 =	vld [tilespmem:s6+$0xE520]  }
0x1a6: {  	[tilespmem:s6+$0x184C0] =	vst v1;
	v1 =	vmul.f32 $8.000000000e+00, v6;
	v6 =	vld [tilespmem:s6+$0xE530]  }
0x1a7: {  	[tilespmem:s6+$0x184D0] =	vst v0;
	v0 =	vmul.f32 $8.000000000e+00, v5;
	v5 =	vld [tilespmem:s6+$0xE540]  }
0x1a8: {  	[tilespmem:s6+$0x184E0] =	vst v1;
	v1 =	vmul.f32 $8.000000000e+00, v3;
	v7 =	vld [tilespmem:s6+$0xE550]  }
0x1a9: {  	[tilespmem:s6+$0x184F0] =	vst v0;
	v0 =	vmul.f32 $8.000000000e+00, v2;
	v2 =	vld [tilespmem:s6+$0xE560]  }
0x1aa: {  	[tilespmem:s6+$0x18500] =	vst v1;
	v1 =	vmul.f32 $8.000000000e+00, v4;
	v4 =	vld [tilespmem:s6+$0xE570]  }
0x1ab: {  	[tilespmem:s6+$0x18510] =	vst v0;
	v0 =	vmul.f32 $8.000000000e+00, v6;
	v8 =	vld [tilespmem:s6+$0xE580]  }
.Ltmp4:
0x1ac: {  	[tilespmem:s6+$0x18520] =	vst v1;
	v1 =	vmul.f32 $8.000000000e+00, v5;
	v3 =	vld [tilespmem:s6+$0xE590];
	(pc) =	sbr.rel @p1 .LBB2_11-.Ltmp4, $4  }
0x1ad: {  	[tilespmem:s6+$0x18530] =	vst v0;
	v5 =	vmul.f32 $8.000000000e+00, v7;
	v0 =	vld [tilespmem:s6+$0xE5A0]  }
0x1ae: {  	[tilespmem:s6+$0x18540] =	vst v1;
	v7 =	vmul.f32 $8.000000000e+00, v2;
	v1 =	vld [tilespmem:s6+$0xE5B0]  }
0x1af: {  	[tilespmem:s6+$0x18550] =	vst v5;
	v6 =	vmul.f32 $8.000000000e+00, v4;
	v2 =	vld [tilespmem:s6+$0xE5C0]  }
0x1b0: {  	s12 =	sadd.s32 $0x800, s12;
	[tilespmem:s6+$0x18560] =	vst v7;
	v5 =	vmul.f32 $8.000000000e+00, v8;
	v4 =	vld [tilespmem:s6+$0xE5D0]  }
0x1b1: {  	[tilespmem:s6+$0x18570] =	vst v6;
	v3 =	vmul.f32 $8.000000000e+00, v3;
	v60 =	vld [tilespmem:s6+$0xE5E0]  }
0x1b2: {  	[tilespmem:s6+$0x18580] =	vst v5;
	v0 =	vmul.f32 $8.000000000e+00, v0  }
0x1b3: {  	[tilespmem:s6+$0x18590] =	vst v3;
	v1 =	vmul.f32 $8.000000000e+00, v1  }
0x1b4: {  	[tilespmem:s6+$0x185A0] =	vst v0;
	v61 =	vmul.f32 $8.000000000e+00, v2  }
0x1b5: {  	[tilespmem:s6+$0x185B0] =	vst v1;
	v62 =	vmul.f32 $8.000000000e+00, v4  }
0x1b6: {  	[tilespmem:s6+$0x185C0] =	vst v61;
	v63 =	vmul.f32 $8.000000000e+00, v60  }
0x1b7: {  	s0 =	sadd.s32 @!p0 $0x480, s20;
	[tilespmem:s6+$0x185D0] =	vst v62  }
0x1b8: {  	s11 =	simm.s32 @!p0 $0xE400;
	s19 =	sadd.s32 $0x1, s19;
	[tilespmem:s6+$0x185E0] =	vst v63;
	s6 =	simm.s32 @!p0 $0x80  }
0x1b9: {  	[tilespmem:s11], [sflag:$0x5] =	stream.indirect.gather @!p0 [hbm4b:s5+s6], $0x40, s0, s6, $0xb8;
	[tilespmem:$0x1A400] =	vst v63  }
0x1ba: {  	p0 =	sne.s32 s19, $0x28  }
.Ltmp5:
0x1bb: {  	s21 =	sadd.s32 s21, s10;
	(pc) =	sbr.rel @p0 .LBB2_2-.Ltmp5, $4  }
0x1bc: {  	s0 =	sshll.u32 s21, $0x3  }
0x1bd: {  	s0 =	sand.u32 $0x1FFFFC00, s0  }
0x1be: {  	s0 =	sadd.s32 s2, s0  }
0x1bf: {  	[hbm4b:s0+s3] =	stream.linear.scatter [tilespmem:s1], [sflag:$0xA], $0x2000, $0x38;
	[tilespmem:$0x1A400] =	vst v63  }
0x1c0: {  	s0 =	simm.s32 $0x6  }
0x1c1: {  	_ =	swait.ge [sflag:s0], $0x2000  }
0x1c2: {  	[sflag:s0] =	ssyncset.done $0x0  }
0x1c3: {  	[sflag:s0] =	ssyncadd.s32 $0xFFFFE000  }
0x1c4: {  	_ =	swait.ge [sflag:s14], $0x2000  }
0x1c5: {  	[sflag:s14] =	ssyncset.done $0x0  }
0x1c6: {  	[sflag:s14] =	ssyncadd.s32 $0xFFFFE000  }
0x1c7: {  	_ =	swait.ge [sflag:s15], $0x2000  }
0x1c8: {  	[sflag:s15] =	ssyncset.done $0x0  }
0x1c9: {  	[sflag:s15] =	ssyncadd.s32 $0xFFFFE000  }
0x1ca: {  	_ =	swait.ge [sflag:s16], $0x2000  }
0x1cb: {  	[sflag:s16] =	ssyncset.done $0x0  }
0x1cc: {  	[sflag:s16] =	ssyncadd.s32 $0xFFFFE000  }
0x1cd: {  	_ =	swait.ge [sflag:s17], $0x2000  }
0x1ce: {  	s18 =	sadd.s32 $0x1, s18;
	s21 =	rddreg [dreg:$0x4]  }
0x1cf: {  	p0 =	sne.s32 s18, s21  }
.Ltmp6:
0x1d0: {  	_ = 	snop;
	(pc) =	sbr.rel @p0 .LBB2_1-.Ltmp6, $3  }
0x1d1: {  	_ =	sdelay $0x1  }
0x1d2: {  	[sflag:s17] =	ssyncset.done $0x0  }
0x1d3: {  	[sflag:s17] =	ssyncadd.s32 $0xFFFFE000  }
0x1d4: {  	_ =	sfence.sel $0x180000  }
0x1d5: {  	[bflag:$0x0] =	sbarrier.arrive $0xFFFF  }
0x1d6: {  	_ =	strace $0x90000047  }
0x1d7: {  	s0 =	stileid.u32;
	[bflag:$0x2] =	sbarrier.arrive $0xFFFF  }
0x1d8: {  	p0 =	sne.s32 s0, $0x0;
	s0 =	rddreg [dreg:$0x2]  }
0x1d9: {  	s0 =	sadd.s32 @!p0 $0x100000, s0  }
0x1da: {  	[sflag:s0] =	ssyncadd.tile.s32 @!p0 $0x1;
	_ =	shalt  }
.Lfunc_end2:
_tile_overlayer_lowered:
.L_overlay_start_2:
0x1db: {  	(tag) =	ssettag $0x2  }
0x1dc: {  	s0 =	rddreg [dreg:$0x0];
	s2 =	stileid.u32  }
0x1dd: {  	s1 =	rddreg [dreg:$0x1];
	p0 =	sne.s32 s2, $0x0  }
0x1de: {  	s3 =	rddreg [dreg:$0x2];
	[bflag:$0x3] =	sbarrier.arrive $0xFFFF;
	s2 =	simm.s32 @!p0 $0x1C0B  }
0x1df: {  	[timem:s3], [sflag:s2] =	dma.local @!p0 [hbm:s0], s1  }
0x1e0: {  	s0 =	simm.s32 @!p0 $0xB  }
0x1e1: {  	_ =	swait.ge @!p0 [sflag:s0], s1  }
0x1e2: {  	s1 =	ssub.s32 @!p0 $0x0, s1;
	[sflag:s0] =	ssyncset.done @!p0 $0x0  }
0x1e3: {  	[sflag:s0] =	ssyncadd.s32 @!p0 s1  }
0x1e4: {  	[bflag:$0x3] =	sbarrier.arrive $0xFFFF  }
0x1e5: {  	_ =	shalt  }

// kernel: sparse-core-data-format-call.cloned.1.call-start
scs
called_computation_lowered:
.L_overlay_start_0:
0x0: {  	s2 =	sld [smem:$0x3FD9]  }
0x1: {  	s3 =	sld [smem:$0x3FFE];
	_ =	sdelay $0x1  }
0x2: {  	s1 =	srdreg.scid  }
0x3: {  	s0 =	sand.u32 $0x1, s1  }
0x4: {  	s18 =	sshll.u32 s0, $0xA;
	s2 =	sadd.s32 s3, s2  }
0x5: {  	s2 =	sadd.s32 s2, s18  }
0x6: {  	[smem:$0x3FC6] =	sst s2  }
0x7: {  	_ = 	snop  }
0x8: {  	s2 =	sld [smem:$0x3FD0];
	(tm) =	ssettm $0x1  }
0x9: {  	s19 =	sld [smem:$0x3FFB];
	_ =	sdelay $0x3  }
0xa: {  	_ =	strace s19  }
0xb: {  	s3 =	sld [smem:$0x3FFC];
	_ =	sdelay $0x3  }
0xc: {  	_ =	strace s3  }
0xd: {  	s3 =	sld [smem:$0x3FFD];
	_ =	sdelay $0x3  }
0xe: {  	_ =	strace s3  }
0xf: {  	_ =	strace $0x8FFFFFFF  }
0x10: {  	s20 =	sld [smem:$0x3FDB];
	_ =	sdelay $0x1  }
0x11: {  	s4 =	simm.s32 $_scs_section_size  }
0x12: {  	s5 =	simm.s32 $_size__tile_overlayer_lowered;
	s6 =	simm.s32 $_tile_overlayer_lowered  }
0x13: {  	s23 =	simm.s32 $0x1BFF;
	s22 =	sshll.u32 s6, $0x1;
	s3 =	sadd.s32 s4, s20  }
0x14: {  	s7 =	simm.s32 $0x0;
	s21 =	sshll.u32 s5, $0x1;
	s5 =	sadd.s32 s22, s3  }
0x15: {  	[timem:s7], [sflag:s23] =	dma.local [hbm:s5], s21  }
0x16: {  	_ =	swait.ge [sflag:s23], s21  }
0x17: {  	s4 =	ssub.s32 $0x0, s21;
	[sflag:s23] =	ssyncset.done $0x0  }
0x18: {  	[sflag:s23] =	ssyncadd.s32 s4;
	_ =	sdelay $0x1  }
0x19: {  	s24 =	simm.s32 $0x1B8B  }
0x1a: {  	_ =	swait.ge [sflag:s24], $0x1  }
0x1b: {  	[sflag:s24] =	ssyncset.done $0x0  }
0x1c: {  	s26 =	simm.s32 $0x1B8E;
	s25 =	sld [smem:$0x3FFE];
	[sflag:s24] =	ssyncadd.s32 $0xFFFFFFFF  }
0x1d: {  	s27 =	simm.s32 $execute0_lowered;
	[smem:$0x3FD2] =	sst s26  }
0x1e: {  	s5 =	sshll.u32 s27, $0x1;
	_ =	strace $0x80000049;
	[dreg:$0x1] =	wrdreg $0xFFFFFFFF  }
0x1f: {  	s28 =	simm.s32 $_size_execute0_lowered;
	s3 =	sadd.s32 s3, s5;
	[dreg:$0x0] =	wrdreg $0x0  }
0x20: {  	s5 =	sshll.u32 s28, $0x1;
	[dreg:$0x2] =	wrdreg s3  }
0x21: {  	[dreg:$0x3] =	wrdreg s5  }
0x22: {  	[dreg:$0x4] =	wrdreg $0xC0  }
0x23: {  	_ =	task [dreg:s7], $0x5FFFF  }
0x24: {  	[dreg:$0x1] =	wrdreg $0xFFFFFFFF  }
0x25: {  	[dreg:$0x0] =	wrdreg $0x60  }
0x26: {  	[dreg:$0x2] =	wrdreg s25  }
0x27: {  	[dreg:$0x3] =	wrdreg s2  }
0x28: {  	[dreg:$0x4] =	wrdreg $0x9  }
0x29: {  	_ =	task.clear_ibuf [dreg:s7], $0x5FFFF;
	_ =	strace $0x90000049  }
0x2a: {  	s29 =	simm.s32 $0x9;
	_ =	strace $0x8000004B  }
0x2b: {  	_ =	swait.ge [sflag:s29], $0x1  }
0x2c: {  	[sflag:s29] =	ssyncadd.s32 $0xFFFFFFFF  }
0x2d: {  	_ =	strace $0x9000004B  }
0x2e: {  	_ =	sfence  }
0x2f: {  	s30 =	sld [smem:$0x0];
	_ =	sdelay $0x2  }
0x30: {  	s31 =	sshll.u32 s1, $0xD;
	s1 =	sshrl.u32 s1, $0x2  }
0x31: {  	s3 =	sand.u32 $0x4000, s31;
	s1 =	sadd.s32 s1, s30  }
0x32: {  	s0 =	sor.u32 s3, s0;
	s1 =	sshll.u32 s1, $0x11  }
0x33: {  	s0 =	sor.u32 s1, s0  }
0x34: {  	s0 =	sadd.s32 $0x8F2B, s0  }
0x35: {  	[sflag:s0] =	ssyncadd.remote.s32 $0x1  }
0x36: {  	_ =	sfence.sel $0xFFFF  }
0x37: {  	[dreg:$0x0] =	wrdreg $0xFFFFFFFF;
	(pc) =	sbr.abs _section_cstart, $3  }
0x38: {  	[dreg:$0x1] =	wrdreg $0xFFFFFFFF  }
0x39: {  	_ =	task.clear_ibuf [dreg:s7], $0x2FFFF;
	_ =	strace $0x9FFFFFFF  }
0x3a: {  	(tm) =	ssettm $0x7FFFFFFF  }
0x3b: {  	_ =	shalt  }
tec
execute0_lowered:
.L_overlay_start_1:
0x0: {  	(tag) =	ssettag $0x1  }
0x1: {  	s0 =	srdreg.scid  }
0x2: {  	s1 =	sshll.u32 s0, $0x4  }
0x3: {  	s0 =	stileid.u32;
	s1 =	sand.u32 $0x10, s1  }
0x4: {  	s1 =	sor.u32 s0, s1  }
0x5: {  	s6 =	rddreg [dreg:$0x0];
	s4 =	simm.s32 $0x1;
	s2 =	sshll.u32 s1, $0x7  }
0x6: {  	s7 =	simm.s32 $0x2;
	s12 =	simm.s32 $0x0;
	s1 =	ssub.s32 $0x1000, s2  }
0x7: {  	s8 =	simm.s32 $0x8000;
	s13 =	simm.s32 $0x0;
	s3 =	sand.u32 $0xF80, s1  }
0x8: {  	s9 =	simm.s32 $0x0;
	s5 =	sshrl.u32 s1, $0xC;
	p0 =	sne.s32 s3, $0x0  }
.Ltmp0:
0x9: {  	s1 =	rddreg [dreg:$0x2];
	s4 =	simm.s32 @!p0 $0x0;
	(pc) =	sbr.rel .LBB1_1-.Ltmp0, $4  }
0xa: {  	s11 =	simm.s32 $0x0;
	s3 =	rddreg [dreg:$0x1];
	s5 =	sadd.s32 s4, s5  }
0xb: {  	_ =	strace $0x8000004A;
	s4 =	simm.s32 $0x1;
	s5 =	smul.u32 $0xC8, s5  }
0xc: {  	s6 =	sadd.s32 $0xA00, s6;
	s10 =	smov.u32 s2;
	[sflag:s4] =	ssyncpa.u1 $0x0  }
0xd: {  	p0 =	por $0x0, $0x0;
	[sflag:s7] =	ssyncpa.u1 $0x0;
	s7 =	sor.u32 $0x1, s5  }
.LBB1_4:
0xe: {  	s16 =	sshll.u32 s13, $0x3;
	s17 =	sand.u32 $0x78, s13  }
0xf: {  	s30 =	sand.u32 $0x7E00, s13;
	s12 =	sshll.u32 s12, $0xF;
	s16 =	sand.u32 $0xC00, s16  }
0x10: {  	[tilespmem:s15+$0x810 ss:$0x81] =	vst.msk $0xffff, v2;
	s31 =	sand.u32 $0x7, s13;
	s16 =	sor.u32 s17, s16;
	s17 =	sadd.s32 s3, s30  }
0x11: {  	[tilespmem:s15+$0x1020 ss:$0x81] =	vst.msk $0xffff, v0;
	s13 =	sshll.u32 s31, $0x12;
	s12 =	sadd.s32 s12, s17;
	s16 =	sshrl.u32 s16, $0x3  }
0x12: {  	[tilespmem:s15+$0x0 ss:$0x81] =	vst.msk $0xffff, v1;
	s13 =	sor.u32 $0x400, s13;
	s12 =	sadd.s32 s16, s12  }
0x13: {  	[hbm4b:s12+s13] =	stream.strided.scatter [tilespmem:s14], [sflag:$0x2], $0x2000, s8, s13, $0x20;
	[tilespmem:$0x8080] =	vst v63  }
.LBB1_5:
0x14: {  	s14 =	sadd.s32 $0x1, s9  }
0x15: {  	s12 =	sadd.s32 $0x1000, s10;
	s16 =	smov.u32 s10;
	p2 =	sgt.s32 s14, $0xC7  }
0x16: {  	s16 =	smov.u32 @p2 s12  }
0x17: {  	s14 =	simm.s32 @p2 $0x0;
	p2 =	sgt.s32 s16, $0xFFF  }
0x18: {  	s16 =	smov.u32 @p2 s2;
	p2 =	sne.s32 s11, s7  }
.Ltmp1:
0x19: {  	p1 =	slt.u32 s11, $0x2;
	(pc) =	sbr.rel @!p2 .LBB1_6-.Ltmp1, $4  }
0x1a: {  	s15 =	simm.s32 @!p1 $0x2  }
0x1b: {  	s13 =	smov.u32 s10;
	p0 =	por !p0, !p0;
	_ =	swait.ge @!p1 [sflag:s15], $0x2000  }
0x1c: {  	s12 =	smov.u32 s9;
	[sflag:s15] =	ssyncset.done @!p1 $0x0;
	s9 =	smov.u32 s14  }
0x1d: {  	s11 =	sadd.s32 $0x1, s11;
	[sflag:s15] =	ssyncadd.s32 @!p1 $0xFFFFE000;
	s10 =	smov.u32 s16  }
.LBB1_1:
0x1e: {  	p1 =	sge.u32 s11, s5  }
0x1f: {  	s14 =	sand.u32 @!p1 $0x1FFFFFF, s9  }
0x20: {  	s15 =	smulhi.u32 @!p1 $0x147AE15, s14;
	_ =	sdelay $0x1  }
0x21: {  	s15 =	smul.u32 @!p1 $0xC8, s15  }
0x22: {  	s16 =	sxor.u32 @!p1 $0xFFFFFFFF, s11;
	s17 =	smul.u32 @!p1 $0xC80, s10  }
0x23: {  	s31 =	sadd.s32 $0xFFFFFFFF, s11;
	s16 =	sshll.u32 @!p1 s16, $0xD;
	s14 =	ssub.s32 @!p1 s14, s15  }
0x24: {  	s15 =	sand.u32 @!p1 $0x2000, s16;
	s16 =	sadd.s32 @!p1 s6, s17;
	s14 =	sshll.u32 @!p1 s14, $0x4  }
0x25: {  	s17 =	simm.s32 @!p1 $0x6400;
	s14 =	sadd.s32 @!p1 s14, s16;
	s16 =	simm.s32 @!p1 $0x40  }
0x26: {  	[tilespmem:s15], [sflag:$0x1] =	stream.strided.gather @!p1 [hbm4b:s14+s16], $0x2000, s17, s16, $0x38;
	[tilespmem:$0x8080] =	vst v63  }
0x27: {  	p1 =	sge.u32 s31, s5  }
.Ltmp2:
0x28: {  	_ = 	snop;
	(pc) =	sbr.rel @p1 .LBB1_5-.Ltmp2, $1  }
0x29: {  	_ =	sdelay $0x3  }
0x2a: {  	s14 =	simm.s32 $0x1  }
0x2b: {  	_ =	swait.ge [sflag:s4], $0x2000;
	s14 =	simm.s32 @!p0 $0x0  }
0x2c: {  	[sflag:s4] =	ssyncset.done $0x0;
	s15 =	sshll.u32 s14, $0xD  }
0x2d: {  	[sflag:s4] =	ssyncadd.s32 $0xFFFFE000;
	s18 =	sor.u32 $0x20, s15  }
0x2e: {  	s14 =	smul.u32 $0x8100, s14;
	v3 =	vld [tilespmem:s18+$0x10]  }
0x2f: {  	s30 =	sand.u32 $0x1, s11;
	v2 =	vld [tilespmem:s18+$0xFFFFFFF0]  }
0x30: {  	s15 =	smul.u32 $0x8100, s30;
	s14 =	sshrl.u32 s14, $0x2;
	v0 =	vld [tilespmem:s18+$0x0]  }
0x31: {  	v1 =	vld [tilespmem:s18+$0xFFFFFFE0];
	s16 =	sor.u32 $0x4000, s14  }
0x32: {  	s31 =	sshrl.u32 s15, $0x2;
	s15 =	sadd.s32 $0x0, s16  }
0x33: {  	s17 =	simm.s32 $0x4;
	s18 =	sadd.s32 $0x40, s18;
	s14 =	sor.u32 $0x4000, s31;
	[tilespmem:s15+$0x1830 ss:$0x81] =	vst.msk $0xffff, v3  }
.LBB1_3:
0x34: {  	v3 =	vld [tilespmem:s18+$0x10];
	p1 =	sne.s32 s17, $0x1FC;
	[tilespmem:s15+$0x810 ss:$0x81] =	vst.msk $0xffff, v2;
	s19 =	smov.u32 s17;
	s17 =	sadd.s32 $0x4, s17  }
.Ltmp3:
0x35: {  	v2 =	vld [tilespmem:s18+$0xFFFFFFF0];
	[tilespmem:s15+$0x1020 ss:$0x81] =	vst.msk $0xffff, v0;
	(pc) =	sbr.rel @p1 .LBB1_3-.Ltmp3, $4  }
0x36: {  	v0 =	vld [tilespmem:s18+$0x0];
	[tilespmem:s15+$0x0 ss:$0x81] =	vst.msk $0xffff, v1  }
0x37: {  	s15 =	sshra.s32 s19, $0x2;
	v1 =	vld [tilespmem:s18+$0xFFFFFFE0]  }
0x38: {  	s15 =	sadd.s32 s15, s16  }
0x39: {  	s18 =	sadd.s32 $0x40, s18;
	[tilespmem:s15+$0x1830 ss:$0x81] =	vst.msk $0xffff, v3  }
.Ltmp4:
0x3a: {  	_ = 	snop;
	(pc) =	sbr.rel .LBB1_4-.Ltmp4, $1  }
0x3b: {  	_ =	sdelay $0x3  }
.LBB1_6:
0x3c: {  	_ =	sfence.sel $0x180000  }
0x3d: {  	s2 =	simm.s32 $0x1;
	[bflag:$0x0] =	sbarrier.arrive $0xFFFF  }
0x3e: {  	s31 =	simm.s32 $0x2;
	[sflag:s2] =	ssyncpa.u1 $0x1  }
0x3f: {  	[sflag:s31] =	ssyncpa.u1 $0x1  }
0x40: {  	p0 =	sne.s32 s0, $0x0;
	_ =	strace $0x9000004A  }
0x41: {  	s0 =	sadd.s32 @!p0 $0x100000, s1;
	[bflag:$0x2] =	sbarrier.arrive $0xFFFF  }
0x42: {  	[sflag:s0] =	ssyncadd.tile.s32 @!p0 $0x1;
	_ =	shalt  }
.Lfunc_end1:
_tile_overlayer_lowered:
.L_overlay_start_2:
0x43: {  	(tag) =	ssettag $0x2  }
0x44: {  	s0 =	rddreg [dreg:$0x0];
	s2 =	stileid.u32  }
0x45: {  	s1 =	rddreg [dreg:$0x1];
	p0 =	sne.s32 s2, $0x0  }
0x46: {  	s3 =	rddreg [dreg:$0x2];
	[bflag:$0x3] =	sbarrier.arrive $0xFFFF;
	s2 =	simm.s32 @!p0 $0x1C01  }
0x47: {  	[timem:s3], [sflag:s2] =	dma.local @!p0 [hbm:s0], s1  }
0x48: {  	s0 =	simm.s32 @!p0 $0x1  }
0x49: {  	_ =	swait.ge @!p0 [sflag:s0], s1  }
0x4a: {  	s1 =	ssub.s32 @!p0 $0x0, s1;
	[sflag:s0] =	ssyncset.done @!p0 $0x0  }
0x4b: {  	[sflag:s0] =	ssyncadd.s32 @!p0 s1  }
0x4c: {  	[bflag:$0x3] =	sbarrier.arrive $0xFFFF  }
0x4d: {  	_ =	shalt  }

</sc_bundles>
